<compile_context>
chip_gen: v7x
topology: tpu7x:2x2x1
jax: 0.10.2.dev20260603
libtpu: 0.0.44.dev20260713+nightly
codegen_flags: <defaults>
</compile_context>

<pallas_src>
import functools

import jax
import jax.numpy as jnp
from jax import lax
from jax.experimental import pallas as pl
from jax.experimental.pallas import tpu as pltpu
from jax.experimental.pallas import tpu_sc as plsc

B, S = 8, 2048
EMB_W, HIDDEN = 128, 768
BS = B * S



def _scan_body(wid_ref, seq_ref, pos_ref):
    w = wid_ref[...]
    start = (w == w[:, 0:1]).astype(jnp.int32)
    iota = lax.broadcasted_iota(jnp.int32, (B, S), 1)
    m = iota * start
    k = 1
    while k < S:
        m = jnp.maximum(m, jnp.concatenate(
            [jnp.zeros((B, k), jnp.int32), m[:, : S - k]], axis=1))
        k *= 2
    seq_ref[...] = m
    pos_ref[...] = iota - m


def _run_scan(input_word_ids):
    return pl.pallas_call(
        _scan_body,
        out_shape=(
            jax.ShapeDtypeStruct((B, S), jnp.int32),
            jax.ShapeDtypeStruct((B, S), jnp.int32),
        ),
    )(input_word_ids)



_SC_CHUNK = 128


def _sc_gather_build():
    info = plsc.get_sparse_core_info()
    nw = info.num_cores * info.num_subcores
    rows_per_w = BS // nw
    n_chunks = rows_per_w // _SC_CHUNK

    @functools.partial(
        pl.kernel,
        mesh=plsc.VectorSubcoreMesh(core_axis_name="c", subcore_axis_name="s"),
        out_type=[
            jax.ShapeDtypeStruct((BS, EMB_W), jnp.float32),
            jax.ShapeDtypeStruct((BS, EMB_W), jnp.float32),
        ],
        scratch_types=[
            pltpu.VMEM((rows_per_w,), jnp.int32),
            pltpu.VMEM((rows_per_w,), jnp.int32),
            pltpu.VMEM((_SC_CHUNK, EMB_W), jnp.float32),
            pltpu.VMEM((_SC_CHUNK, EMB_W), jnp.float32),
            pltpu.SemaphoreType.DMA,
            pltpu.SemaphoreType.DMA,
        ],
    )
    def sc_gather(wtab, ptab, wids, pids, we_out, pe_out,
                  widx_v, pidx_v, rows0, rows1, sem0, sem1):
        wid = lax.axis_index("s") * info.num_cores + lax.axis_index("c")
        base = wid * rows_per_w
        pltpu.sync_copy(wids.at[pl.ds(base, rows_per_w)], widx_v)
        pltpu.sync_copy(pids.at[pl.ds(base, rows_per_w)], pidx_v)
        bufs = (rows0, rows1)
        sems = (sem0, sem1)
        jobs = [(wtab, widx_v, we_out, c) for c in range(n_chunks)]
        jobs += [(ptab, pidx_v, pe_out, c) for c in range(n_chunks)]
        copies = []
        for j, (tab, idx_v, out, c) in enumerate(jobs):
            copies.append(pltpu.async_copy(
                tab.at[idx_v.at[pl.ds(c * _SC_CHUNK, _SC_CHUNK)]],
                bufs[j % 2], sems[j % 2]))
            if j >= 1:
                ptab_, pidx_, pout_, pc_ = jobs[j - 1]
                copies[j - 1].wait()
                pltpu.sync_copy(bufs[(j - 1) % 2],
                                pout_.at[pl.ds(base + pc_ * _SC_CHUNK,
                                               _SC_CHUNK)])
        ltab_, lidx_, lout_, lc_ = jobs[-1]
        copies[-1].wait()
        pltpu.sync_copy(bufs[(len(jobs) - 1) % 2],
                        lout_.at[pl.ds(base + lc_ * _SC_CHUNK, _SC_CHUNK)])

    return sc_gather



_RA = 1024
_CA = 512


def _fused_body(seqc_ref, seqr_ref, mask_ref, we_ref, pe_ref, tid_ref,
                temb_ref, g_ref, bt_ref, proj_ref,
                attn_ref, emb_ref):
    x = we_ref[0] + pe_ref[0]
    t = tid_ref[0].astype(jnp.float32)
    t0 = temb_ref[0:1, :]
    t1 = temb_ref[1:2, :]
    x = x + t0 + t * (t1 - t0)
    mean = jnp.mean(x, axis=1, keepdims=True)
    xc = x - mean
    var = jnp.mean(xc * xc, axis=1, keepdims=True)
    y = xc * lax.rsqrt(var + 1e-12) * g_ref[...] + bt_ref[...]
    emb_ref[0] = jnp.dot(y, proj_ref[...], preferred_element_type=jnp.float32)
    sc = seqc_ref[...]
    sr = seqr_ref[...]
    mk = mask_ref[...].astype(jnp.float32)
    for c in range(S // _CA):
        lo, hi = c * _CA, (c + 1) * _CA
        eq = (sc == sr[:, :, lo:hi]).astype(jnp.float32)
        attn_ref[:, :, lo:hi] = eq * mk[:, :, lo:hi]


def _run_fused(seq_ids, input_mask, we, pe, input_type_ids,
               type_emb, ln_gamma, ln_beta, proj_kernel):
    return pl.pallas_call(
        _fused_body,
        grid=(B, S // _RA),
        in_specs=[
            pl.BlockSpec((1, _RA, 1), lambda b, j: (b, j, 0)),
            pl.BlockSpec((1, 1, S), lambda b, j: (b, 0, 0)),
            pl.BlockSpec((1, 1, S), lambda b, j: (b, 0, 0)),
            pl.BlockSpec((1, _RA, EMB_W), lambda b, j: (b, j, 0)),
            pl.BlockSpec((1, _RA, EMB_W), lambda b, j: (b, j, 0)),
            pl.BlockSpec((1, _RA, 1), lambda b, j: (b, j, 0)),
            pl.BlockSpec((2, EMB_W), lambda b, j: (0, 0)),
            pl.BlockSpec((1, EMB_W), lambda b, j: (0, 0)),
            pl.BlockSpec((1, EMB_W), lambda b, j: (0, 0)),
            pl.BlockSpec((EMB_W, HIDDEN), lambda b, j: (0, 0)),
        ],
        out_specs=[
            pl.BlockSpec((1, _RA, S), lambda b, j: (b, j, 0)),
            pl.BlockSpec((1, _RA, HIDDEN), lambda b, j: (b, j, 0)),
        ],
        out_shape=[
            jax.ShapeDtypeStruct((B, S, S), jnp.float32),
            jax.ShapeDtypeStruct((B, S, HIDDEN), jnp.float32),
        ],
    )(seq_ids.reshape(B, S, 1), seq_ids.reshape(B, 1, S),
      input_mask.reshape(B, 1, S), we.reshape(B, S, EMB_W),
      pe.reshape(B, S, EMB_W), input_type_ids.reshape(B, S, 1),
      type_emb, ln_gamma.reshape(1, EMB_W), ln_beta.reshape(1, EMB_W),
      proj_kernel)


def kernel(input_word_ids, input_mask, input_type_ids, word_emb, type_emb,
           pos_emb, ln_gamma, ln_beta, proj_kernel):
    seq_ids, pos_ids = _run_scan(input_word_ids)
    we, pe = _sc_gather_build()(word_emb, pos_emb,
                                input_word_ids.reshape(BS),
                                pos_ids.reshape(BS))
    attn, emb = _run_fused(seq_ids, input_mask, we, pe, input_type_ids,
                           type_emb, ln_gamma, ln_beta, proj_kernel)
    return emb, attn
    we, pe = _sc_gather_build()(
        word_emb, pos_emb,
        input_word_ids.reshape(BS), pos_ids.reshape(BS))
    attn = _run_attn(seq_ids, input_mask)
    emb = _run_emb(we, pe, input_type_ids, type_emb, ln_gamma, ln_beta,
                   proj_kernel)
    return emb.reshape(B, S, HIDDEN), attn

# --- scband reference (transcript-rebuilt; emitter-appended) ---
"""Pipeline reference for scband-packed-sequence-embedding-46763603919272 (READ-ONLY COPY).

The authoritative reference and input builder live on the scoring server;
editing this copy changes nothing except your own understanding.
"""

import jax, jax.numpy as jnp
import numpy as np

B, S = 8, 2048
VOCAB, TYPE_VOCAB, EMB_W, HIDDEN, MAX_SEQ = 100000, 2, 128, 768, 2048


def setup_inputs(seed: int = 0) -> dict:
    key = jax.random.key(seed)
    ks = jax.random.split(key, 8)
    input_word_ids = jax.random.randint(ks[0], (B, S), 0, VOCAB, dtype=jnp.int32)
    input_mask = jax.random.randint(ks[1], (B, S), 0, 2, dtype=jnp.int32)
    input_type_ids = jax.random.randint(ks[2], (B, S), 0, TYPE_VOCAB, dtype=jnp.int32)
    word_emb = jax.random.normal(ks[3], (VOCAB, EMB_W), dtype=jnp.float32) * 0.02
    type_emb = jax.random.normal(ks[4], (TYPE_VOCAB, EMB_W), dtype=jnp.float32) * 0.02
    pos_emb = jax.random.normal(ks[5], (MAX_SEQ, EMB_W), dtype=jnp.float32) * 0.02
    ln_gamma = jnp.ones((EMB_W,), jnp.float32)
    ln_beta = jnp.zeros((EMB_W,), jnp.float32)
    proj_kernel = jax.random.normal(ks[6], (EMB_W, HIDDEN), dtype=jnp.float32) * 0.02
    return {
        'input_word_ids': input_word_ids,
        'input_mask': input_mask,
        'input_type_ids': input_type_ids,
        'word_emb': word_emb,
        'type_emb': type_emb,
        'pos_emb': pos_emb,
        'ln_gamma': ln_gamma,
        'ln_beta': ln_beta,
        'proj_kernel': proj_kernel,
    }


def reference(input_word_ids, input_mask, input_type_ids, word_emb, type_emb,
              pos_emb, ln_gamma, ln_beta, proj_kernel):
    # --- word embeddings (gather) ---
    we = jnp.take(word_emb, input_word_ids, axis=0)  # [B, S, EMB_W]

    # --- PackedSequenceMask ---
    seq_start_token = input_word_ids[:, 0:1]
    seq_start_loc = (input_word_ids == seq_start_token).astype(jnp.int32)
    seq_ids = jnp.cumsum(seq_start_loc, axis=-1)[:, :, None]  # [B, S, 1]
    sub_sequence_mask = seq_ids == jnp.transpose(seq_ids, (0, 2, 1))  # [B,S,S] bool

    # --- PositionEmbeddingWithSubSeqMask (use_dynamic_slicing=True) ---
    position_embeddings = pos_emb[:S, :]
    m = sub_sequence_mask.astype(jnp.int32)
    position_ids = jnp.diagonal(jnp.cumsum(m, axis=-1), axis1=1, axis2=2) - 1  # [B, S]
    pe = jnp.take(position_embeddings, position_ids, axis=0)  # [B, S, EMB_W]

    # --- type embeddings (one-hot matmul, as in OnDeviceEmbedding(use_one_hot=True)) ---
    one_hot = jax.nn.one_hot(input_type_ids, TYPE_VOCAB, dtype=jnp.float32)
    te = jnp.einsum('bsk,kd->bsd', one_hot, type_emb)

    # --- add + layer norm (eps 1e-12) ---
    emb = we + pe + te
    mean = jnp.mean(emb, axis=-1, keepdims=True)
    var = jnp.mean(jnp.square(emb - mean), axis=-1, keepdims=True)
    emb = (emb - mean) / jnp.sqrt(var + 1e-12) * ln_gamma + ln_beta
    # dropout is identity at inference

    # --- embedding projection (embedding_width != hidden_size) ---
    emb = jnp.einsum('bsx,xy->bsy', emb, proj_kernel)  # [B, S, HIDDEN]

    # --- SelfAttentionMask combined with sub-sequence mask ---
    attn = jnp.ones((B, S, 1), jnp.float32) * input_mask[:, None, :].astype(jnp.float32)
    attn = attn * sub_sequence_mask.astype(jnp.float32)
    return emb, attn

if __name__ == "__main__":
    import jax
    _d = setup_inputs()
    print(jax.jit(kernel)(*tuple(_d.values())))

</pallas_src>

<mosaic_0001>
#map = affine_map<(d0, d1) -> (0, 0)>
#map1 = affine_map<(d0, d1) -> (0)>
module attributes {stable_mosaic.version = 14 : i64} {
  func.func @sc_gather(%arg0: i32, %arg1: i32, %arg2: memref<100000x128xf32, #tpu.memory_space<hbm>>, %arg3: memref<2048x128xf32, #tpu.memory_space<hbm>>, %arg4: memref<16384xi32, #tpu.memory_space<hbm>>, %arg5: memref<16384xi32, #tpu.memory_space<hbm>>, %arg6: memref<16384x128xf32, #tpu.memory_space<hbm>>, %arg7: memref<16384x128xf32, #tpu.memory_space<hbm>>, %arg8: memref<512xi32, #tpu.memory_space<vmem>>, %arg9: memref<512xi32, #tpu.memory_space<vmem>>, %arg10: memref<128x128xf32, #tpu.memory_space<vmem>>, %arg11: memref<128x128xf32, #tpu.memory_space<vmem>>, %arg12: memref<!tpu.dma_semaphore, #tpu.memory_space<semaphore_mem>>, %arg13: memref<!tpu.dma_semaphore, #tpu.memory_space<semaphore_mem>>) attributes {dimension_semantics = [#tpu.dimension_semantics<core_parallel>, #tpu.dimension_semantics<subcore_parallel>], iteration_bounds = array<i64: 2, 16>, scalar_prefetch = 0 : i64, scratch_operands = 6 : i64, tpu.core_type = #tpu.core_type<sc_vector_subcore>, window_params = [{transform_indices = #map}, {transform_indices = #map}, {transform_indices = #map1}, {transform_indices = #map1}, {transform_indices = #map}, {transform_indices = #map}]} {
    %mul3A = arith.constant 2 : i32
    %mul3A_0 = arith.muli %arg1, %mul3A : i32
    %add3A = arith.addi %mul3A_0, %arg0 : i32
    %mul3A_1 = arith.constant 512 : i32
    %mul3A_2 = arith.muli %add3A, %mul3A_1 : i32
    "tpu.region"() ({
      %run_scoped3A = tpu.sem_alloc : memref<!tpu.dma_semaphore, #tpu.memory_space<semaphore_mem>>
      %dma_start3A_97 = tpu.memref_slice %arg4[%mul3A_2] : memref<16384xi32, #tpu.memory_space<hbm>> -> memref<512xi32, #tpu.memory_space<hbm>>
      %dma_start3A_98 = tpu.memref_slice %arg4[%mul3A_2] : memref<16384xi32, #tpu.memory_space<hbm>> -> memref<512xi32, #tpu.memory_space<hbm>>
      tpu.enqueue_dma source(%dma_start3A_98 : memref<512xi32, #tpu.memory_space<hbm>>) target(%arg8 : memref<512xi32, #tpu.memory_space<vmem>>) target_semaphore(%run_scoped3A : memref<!tpu.dma_semaphore, #tpu.memory_space<semaphore_mem>>)
      %dma_wait3A_99 = tpu.memref_slice %arg4[%mul3A_2] : memref<16384xi32, #tpu.memory_space<hbm>> -> memref<512xi32, #tpu.memory_space<hbm>>
      %dma_wait3A_100 = tpu.memref_slice %arg4[%mul3A_2] : memref<16384xi32, #tpu.memory_space<hbm>> -> memref<512xi32, #tpu.memory_space<hbm>>
      tpu.wait_dma2 semaphore(%run_scoped3A : memref<!tpu.dma_semaphore, #tpu.memory_space<semaphore_mem>>) src(%dma_wait3A_100 : memref<512xi32, #tpu.memory_space<hbm>>) dst(%arg8 : memref<512xi32, #tpu.memory_space<vmem>>)
      tpu.yield
    }) : () -> ()
    "tpu.region"() ({
      %run_scoped3A = tpu.sem_alloc : memref<!tpu.dma_semaphore, #tpu.memory_space<semaphore_mem>>
      %dma_start3A_97 = tpu.memref_slice %arg5[%mul3A_2] : memref<16384xi32, #tpu.memory_space<hbm>> -> memref<512xi32, #tpu.memory_space<hbm>>
      %dma_start3A_98 = tpu.memref_slice %arg5[%mul3A_2] : memref<16384xi32, #tpu.memory_space<hbm>> -> memref<512xi32, #tpu.memory_space<hbm>>
      tpu.enqueue_dma source(%dma_start3A_98 : memref<512xi32, #tpu.memory_space<hbm>>) target(%arg9 : memref<512xi32, #tpu.memory_space<vmem>>) target_semaphore(%run_scoped3A : memref<!tpu.dma_semaphore, #tpu.memory_space<semaphore_mem>>)
      %dma_wait3A_99 = tpu.memref_slice %arg5[%mul3A_2] : memref<16384xi32, #tpu.memory_space<hbm>> -> memref<512xi32, #tpu.memory_space<hbm>>
      %dma_wait3A_100 = tpu.memref_slice %arg5[%mul3A_2] : memref<16384xi32, #tpu.memory_space<hbm>> -> memref<512xi32, #tpu.memory_space<hbm>>
      tpu.wait_dma2 semaphore(%run_scoped3A : memref<!tpu.dma_semaphore, #tpu.memory_space<semaphore_mem>>) src(%dma_wait3A_100 : memref<512xi32, #tpu.memory_space<hbm>>) dst(%arg9 : memref<512xi32, #tpu.memory_space<vmem>>)
      tpu.yield
    }) : () -> ()
    %dma_start3A = arith.constant 0 : i32
    %dma_start3A_3 = tpu.memref_slice %arg8[%dma_start3A] : memref<512xi32, #tpu.memory_space<vmem>> -> memref<128xi32, #tpu.memory_space<vmem>>
    %dma_start3A_4 = arith.constant 0 : i32
    %dma_start3A_5 = arith.constant 0 : i32
    %dma_start3A_6 = tpu.memref_slice %arg2[%dma_start3A_4, %dma_start3A_5] : memref<100000x128xf32, #tpu.memory_space<hbm>> -> memref<100000x128xf32, #tpu.memory_space<hbm>>
    tpu.enqueue_indirect_dma source(%dma_start3A_6 : memref<100000x128xf32, #tpu.memory_space<hbm>>) target(%arg10 : memref<128x128xf32, #tpu.memory_space<vmem>>) offsets(%dma_start3A_3 : memref<128xi32, #tpu.memory_space<vmem>>) semaphore(%arg12 : memref<!tpu.dma_semaphore, #tpu.memory_space<semaphore_mem>>)
    %dma_start3A_7 = arith.constant 128 : i32
    %dma_start3A_8 = tpu.memref_slice %arg8[%dma_start3A_7] : memref<512xi32, #tpu.memory_space<vmem>> -> memref<128xi32, #tpu.memory_space<vmem>>
    %dma_start3A_9 = arith.constant 0 : i32
    %dma_start3A_10 = arith.constant 0 : i32
    %dma_start3A_11 = tpu.memref_slice %arg2[%dma_start3A_9, %dma_start3A_10] : memref<100000x128xf32, #tpu.memory_space<hbm>> -> memref<100000x128xf32, #tpu.memory_space<hbm>>
    tpu.enqueue_indirect_dma source(%dma_start3A_11 : memref<100000x128xf32, #tpu.memory_space<hbm>>) target(%arg11 : memref<128x128xf32, #tpu.memory_space<vmem>>) offsets(%dma_start3A_8 : memref<128xi32, #tpu.memory_space<vmem>>) semaphore(%arg13 : memref<!tpu.dma_semaphore, #tpu.memory_space<semaphore_mem>>)
    %dma_wait3A = arith.constant 0 : i32
    %dma_wait3A_12 = tpu.memref_slice %arg8[%dma_wait3A] : memref<512xi32, #tpu.memory_space<vmem>> -> memref<128xi32, #tpu.memory_space<vmem>>
    %dma_wait3A_13 = arith.constant 0 : i32
    %dma_wait3A_14 = arith.constant 0 : i32
    %dma_wait3A_15 = tpu.memref_slice %arg2[%dma_wait3A_13, %dma_wait3A_14] : memref<100000x128xf32, #tpu.memory_space<hbm>> -> memref<100000x128xf32, #tpu.memory_space<hbm>>
    tpu.wait_indirect_dma semaphore(%arg12 : memref<!tpu.dma_semaphore, #tpu.memory_space<semaphore_mem>>) src(%dma_wait3A_15 : memref<100000x128xf32, #tpu.memory_space<hbm>>) dst(%arg10 : memref<128x128xf32, #tpu.memory_space<vmem>>)
    %add3A_16 = arith.constant 0 : i32
    %add3A_17 = arith.addi %mul3A_2, %add3A_16 : i32
    "tpu.region"() ({
      %run_scoped3A = tpu.sem_alloc : memref<!tpu.dma_semaphore, #tpu.memory_space<semaphore_mem>>
      %dma_start3A_97 = arith.constant 0 : i32
      %dma_start3A_98 = tpu.memref_slice %arg6[%add3A_17, %dma_start3A_97] : memref<16384x128xf32, #tpu.memory_space<hbm>> -> memref<128x128xf32, #tpu.memory_space<hbm>>
      %dma_start3A_99 = arith.constant 0 : i32
      %dma_start3A_100 = tpu.memref_slice %arg6[%add3A_17, %dma_start3A_99] : memref<16384x128xf32, #tpu.memory_space<hbm>> -> memref<128x128xf32, #tpu.memory_space<hbm>>
      tpu.enqueue_dma source(%arg10 : memref<128x128xf32, #tpu.memory_space<vmem>>) target(%dma_start3A_100 : memref<128x128xf32, #tpu.memory_space<hbm>>) target_semaphore(%run_scoped3A : memref<!tpu.dma_semaphore, #tpu.memory_space<semaphore_mem>>)
      %dma_wait3A_101 = arith.constant 0 : i32
      %dma_wait3A_102 = tpu.memref_slice %arg6[%add3A_17, %dma_wait3A_101] : memref<16384x128xf32, #tpu.memory_space<hbm>> -> memref<128x128xf32, #tpu.memory_space<hbm>>
      %dma_wait3A_103 = arith.constant 0 : i32
      %dma_wait3A_104 = tpu.memref_slice %arg6[%add3A_17, %dma_wait3A_103] : memref<16384x128xf32, #tpu.memory_space<hbm>> -> memref<128x128xf32, #tpu.memory_space<hbm>>
      tpu.wait_dma2 semaphore(%run_scoped3A : memref<!tpu.dma_semaphore, #tpu.memory_space<semaphore_mem>>) src(%arg10 : memref<128x128xf32, #tpu.memory_space<vmem>>) dst(%dma_wait3A_104 : memref<128x128xf32, #tpu.memory_space<hbm>>)
      tpu.yield
    }) : () -> ()
    %dma_start3A_18 = arith.constant 256 : i32
    %dma_start3A_19 = tpu.memref_slice %arg8[%dma_start3A_18] : memref<512xi32, #tpu.memory_space<vmem>> -> memref<128xi32, #tpu.memory_space<vmem>>
    %dma_start3A_20 = arith.constant 0 : i32
    %dma_start3A_21 = arith.constant 0 : i32
    %dma_start3A_22 = tpu.memref_slice %arg2[%dma_start3A_20, %dma_start3A_21] : memref<100000x128xf32, #tpu.memory_space<hbm>> -> memref<100000x128xf32, #tpu.memory_space<hbm>>
    tpu.enqueue_indirect_dma source(%dma_start3A_22 : memref<100000x128xf32, #tpu.memory_space<hbm>>) target(%arg10 : memref<128x128xf32, #tpu.memory_space<vmem>>) offsets(%dma_start3A_19 : memref<128xi32, #tpu.memory_space<vmem>>) semaphore(%arg12 : memref<!tpu.dma_semaphore, #tpu.memory_space<semaphore_mem>>)
    %dma_wait3A_23 = arith.constant 128 : i32
    %dma_wait3A_24 = tpu.memref_slice %arg8[%dma_wait3A_23] : memref<512xi32, #tpu.memory_space<vmem>> -> memref<128xi32, #tpu.memory_space<vmem>>
    %dma_wait3A_25 = arith.constant 0 : i32
    %dma_wait3A_26 = arith.constant 0 : i32
    %dma_wait3A_27 = tpu.memref_slice %arg2[%dma_wait3A_25, %dma_wait3A_26] : memref<100000x128xf32, #tpu.memory_space<hbm>> -> memref<100000x128xf32, #tpu.memory_space<hbm>>
    tpu.wait_indirect_dma semaphore(%arg13 : memref<!tpu.dma_semaphore, #tpu.memory_space<semaphore_mem>>) src(%dma_wait3A_27 : memref<100000x128xf32, #tpu.memory_space<hbm>>) dst(%arg11 : memref<128x128xf32, #tpu.memory_space<vmem>>)
    %add3A_28 = arith.constant 128 : i32
    %add3A_29 = arith.addi %mul3A_2, %add3A_28 : i32
    "tpu.region"() ({
      %run_scoped3A = tpu.sem_alloc : memref<!tpu.dma_semaphore, #tpu.memory_space<semaphore_mem>>
      %dma_start3A_97 = arith.constant 0 : i32
      %dma_start3A_98 = tpu.memref_slice %arg6[%add3A_29, %dma_start3A_97] : memref<16384x128xf32, #tpu.memory_space<hbm>> -> memref<128x128xf32, #tpu.memory_space<hbm>>
      %dma_start3A_99 = arith.constant 0 : i32
      %dma_start3A_100 = tpu.memref_slice %arg6[%add3A_29, %dma_start3A_99] : memref<16384x128xf32, #tpu.memory_space<hbm>> -> memref<128x128xf32, #tpu.memory_space<hbm>>
      tpu.enqueue_dma source(%arg11 : memref<128x128xf32, #tpu.memory_space<vmem>>) target(%dma_start3A_100 : memref<128x128xf32, #tpu.memory_space<hbm>>) target_semaphore(%run_scoped3A : memref<!tpu.dma_semaphore, #tpu.memory_space<semaphore_mem>>)
      %dma_wait3A_101 = arith.constant 0 : i32
      %dma_wait3A_102 = tpu.memref_slice %arg6[%add3A_29, %dma_wait3A_101] : memref<16384x128xf32, #tpu.memory_space<hbm>> -> memref<128x128xf32, #tpu.memory_space<hbm>>
      %dma_wait3A_103 = arith.constant 0 : i32
      %dma_wait3A_104 = tpu.memref_slice %arg6[%add3A_29, %dma_wait3A_103] : memref<16384x128xf32, #tpu.memory_space<hbm>> -> memref<128x128xf32, #tpu.memory_space<hbm>>
      tpu.wait_dma2 semaphore(%run_scoped3A : memref<!tpu.dma_semaphore, #tpu.memory_space<semaphore_mem>>) src(%arg11 : memref<128x128xf32, #tpu.memory_space<vmem>>) dst(%dma_wait3A_104 : memref<128x128xf32, #tpu.memory_space<hbm>>)
      tpu.yield
    }) : () -> ()
    %dma_start3A_30 = arith.constant 384 : i32
    %dma_start3A_31 = tpu.memref_slice %arg8[%dma_start3A_30] : memref<512xi32, #tpu.memory_space<vmem>> -> memref<128xi32, #tpu.memory_space<vmem>>
    %dma_start3A_32 = arith.constant 0 : i32
    %dma_start3A_33 = arith.constant 0 : i32
    %dma_start3A_34 = tpu.memref_slice %arg2[%dma_start3A_32, %dma_start3A_33] : memref<100000x128xf32, #tpu.memory_space<hbm>> -> memref<100000x128xf32, #tpu.memory_space<hbm>>
    tpu.enqueue_indirect_dma source(%dma_start3A_34 : memref<100000x128xf32, #tpu.memory_space<hbm>>) target(%arg11 : memref<128x128xf32, #tpu.memory_space<vmem>>) offsets(%dma_start3A_31 : memref<128xi32, #tpu.memory_space<vmem>>) semaphore(%arg13 : memref<!tpu.dma_semaphore, #tpu.memory_space<semaphore_mem>>)
    %dma_wait3A_35 = arith.constant 256 : i32
    %dma_wait3A_36 = tpu.memref_slice %arg8[%dma_wait3A_35] : memref<512xi32, #tpu.memory_space<vmem>> -> memref<128xi32, #tpu.memory_space<vmem>>
    %dma_wait3A_37 = arith.constant 0 : i32
    %dma_wait3A_38 = arith.constant 0 : i32
    %dma_wait3A_39 = tpu.memref_slice %arg2[%dma_wait3A_37, %dma_wait3A_38] : memref<100000x128xf32, #tpu.memory_space<hbm>> -> memref<100000x128xf32, #tpu.memory_space<hbm>>
    tpu.wait_indirect_dma semaphore(%arg12 : memref<!tpu.dma_semaphore, #tpu.memory_space<semaphore_mem>>) src(%dma_wait3A_39 : memref<100000x128xf32, #tpu.memory_space<hbm>>) dst(%arg10 : memref<128x128xf32, #tpu.memory_space<vmem>>)
    %add3A_40 = arith.constant 256 : i32
    %add3A_41 = arith.addi %mul3A_2, %add3A_40 : i32
    "tpu.region"() ({
      %run_scoped3A = tpu.sem_alloc : memref<!tpu.dma_semaphore, #tpu.memory_space<semaphore_mem>>
      %dma_start3A_97 = arith.constant 0 : i32
      %dma_start3A_98 = tpu.memref_slice %arg6[%add3A_41, %dma_start3A_97] : memref<16384x128xf32, #tpu.memory_space<hbm>> -> memref<128x128xf32, #tpu.memory_space<hbm>>
      %dma_start3A_99 = arith.constant 0 : i32
      %dma_start3A_100 = tpu.memref_slice %arg6[%add3A_41, %dma_start3A_99] : memref<16384x128xf32, #tpu.memory_space<hbm>> -> memref<128x128xf32, #tpu.memory_space<hbm>>
      tpu.enqueue_dma source(%arg10 : memref<128x128xf32, #tpu.memory_space<vmem>>) target(%dma_start3A_100 : memref<128x128xf32, #tpu.memory_space<hbm>>) target_semaphore(%run_scoped3A : memref<!tpu.dma_semaphore, #tpu.memory_space<semaphore_mem>>)
      %dma_wait3A_101 = arith.constant 0 : i32
      %dma_wait3A_102 = tpu.memref_slice %arg6[%add3A_41, %dma_wait3A_101] : memref<16384x128xf32, #tpu.memory_space<hbm>> -> memref<128x128xf32, #tpu.memory_space<hbm>>
      %dma_wait3A_103 = arith.constant 0 : i32
      %dma_wait3A_104 = tpu.memref_slice %arg6[%add3A_41, %dma_wait3A_103] : memref<16384x128xf32, #tpu.memory_space<hbm>> -> memref<128x128xf32, #tpu.memory_space<hbm>>
      tpu.wait_dma2 semaphore(%run_scoped3A : memref<!tpu.dma_semaphore, #tpu.memory_space<semaphore_mem>>) src(%arg10 : memref<128x128xf32, #tpu.memory_space<vmem>>) dst(%dma_wait3A_104 : memref<128x128xf32, #tpu.memory_space<hbm>>)
      tpu.yield
    }) : () -> ()
    %dma_start3A_42 = arith.constant 0 : i32
    %dma_start3A_43 = tpu.memref_slice %arg9[%dma_start3A_42] : memref<512xi32, #tpu.memory_space<vmem>> -> memref<128xi32, #tpu.memory_space<vmem>>
    %dma_start3A_44 = arith.constant 0 : i32
    %dma_start3A_45 = arith.constant 0 : i32
    %dma_start3A_46 = tpu.memref_slice %arg3[%dma_start3A_44, %dma_start3A_45] : memref<2048x128xf32, #tpu.memory_space<hbm>> -> memref<2048x128xf32, #tpu.memory_space<hbm>>
    tpu.enqueue_indirect_dma source(%dma_start3A_46 : memref<2048x128xf32, #tpu.memory_space<hbm>>) target(%arg10 : memref<128x128xf32, #tpu.memory_space<vmem>>) offsets(%dma_start3A_43 : memref<128xi32, #tpu.memory_space<vmem>>) semaphore(%arg12 : memref<!tpu.dma_semaphore, #tpu.memory_space<semaphore_mem>>)
    %dma_wait3A_47 = arith.constant 384 : i32
    %dma_wait3A_48 = tpu.memref_slice %arg8[%dma_wait3A_47] : memref<512xi32, #tpu.memory_space<vmem>> -> memref<128xi32, #tpu.memory_space<vmem>>
    %dma_wait3A_49 = arith.constant 0 : i32
    %dma_wait3A_50 = arith.constant 0 : i32
    %dma_wait3A_51 = tpu.memref_slice %arg2[%dma_wait3A_49, %dma_wait3A_50] : memref<100000x128xf32, #tpu.memory_space<hbm>> -> memref<100000x128xf32, #tpu.memory_space<hbm>>
    tpu.wait_indirect_dma semaphore(%arg13 : memref<!tpu.dma_semaphore, #tpu.memory_space<semaphore_mem>>) src(%dma_wait3A_51 : memref<100000x128xf32, #tpu.memory_space<hbm>>) dst(%arg11 : memref<128x128xf32, #tpu.memory_space<vmem>>)
    %add3A_52 = arith.constant 384 : i32
    %add3A_53 = arith.addi %mul3A_2, %add3A_52 : i32
    "tpu.region"() ({
      %run_scoped3A = tpu.sem_alloc : memref<!tpu.dma_semaphore, #tpu.memory_space<semaphore_mem>>
      %dma_start3A_97 = arith.constant 0 : i32
      %dma_start3A_98 = tpu.memref_slice %arg6[%add3A_53, %dma_start3A_97] : memref<16384x128xf32, #tpu.memory_space<hbm>> -> memref<128x128xf32, #tpu.memory_space<hbm>>
      %dma_start3A_99 = arith.constant 0 : i32
      %dma_start3A_100 = tpu.memref_slice %arg6[%add3A_53, %dma_start3A_99] : memref<16384x128xf32, #tpu.memory_space<hbm>> -> memref<128x128xf32, #tpu.memory_space<hbm>>
      tpu.enqueue_dma source(%arg11 : memref<128x128xf32, #tpu.memory_space<vmem>>) target(%dma_start3A_100 : memref<128x128xf32, #tpu.memory_space<hbm>>) target_semaphore(%run_scoped3A : memref<!tpu.dma_semaphore, #tpu.memory_space<semaphore_mem>>)
      %dma_wait3A_101 = arith.constant 0 : i32
      %dma_wait3A_102 = tpu.memref_slice %arg6[%add3A_53, %dma_wait3A_101] : memref<16384x128xf32, #tpu.memory_space<hbm>> -> memref<128x128xf32, #tpu.memory_space<hbm>>
      %dma_wait3A_103 = arith.constant 0 : i32
      %dma_wait3A_104 = tpu.memref_slice %arg6[%add3A_53, %dma_wait3A_103] : memref<16384x128xf32, #tpu.memory_space<hbm>> -> memref<128x128xf32, #tpu.memory_space<hbm>>
      tpu.wait_dma2 semaphore(%run_scoped3A : memref<!tpu.dma_semaphore, #tpu.memory_space<semaphore_mem>>) src(%arg11 : memref<128x128xf32, #tpu.memory_space<vmem>>) dst(%dma_wait3A_104 : memref<128x128xf32, #tpu.memory_space<hbm>>)
      tpu.yield
    }) : () -> ()
    %dma_start3A_54 = arith.constant 128 : i32
    %dma_start3A_55 = tpu.memref_slice %arg9[%dma_start3A_54] : memref<512xi32, #tpu.memory_space<vmem>> -> memref<128xi32, #tpu.memory_space<vmem>>
    %dma_start3A_56 = arith.constant 0 : i32
    %dma_start3A_57 = arith.constant 0 : i32
    %dma_start3A_58 = tpu.memref_slice %arg3[%dma_start3A_56, %dma_start3A_57] : memref<2048x128xf32, #tpu.memory_space<hbm>> -> memref<2048x128xf32, #tpu.memory_space<hbm>>
    tpu.enqueue_indirect_dma source(%dma_start3A_58 : memref<2048x128xf32, #tpu.memory_space<hbm>>) target(%arg11 : memref<128x128xf32, #tpu.memory_space<vmem>>) offsets(%dma_start3A_55 : memref<128xi32, #tpu.memory_space<vmem>>) semaphore(%arg13 : memref<!tpu.dma_semaphore, #tpu.memory_space<semaphore_mem>>)
    %dma_wait3A_59 = arith.constant 0 : i32
    %dma_wait3A_60 = tpu.memref_slice %arg9[%dma_wait3A_59] : memref<512xi32, #tpu.memory_space<vmem>> -> memref<128xi32, #tpu.memory_space<vmem>>
    %dma_wait3A_61 = arith.constant 0 : i32
    %dma_wait3A_62 = arith.constant 0 : i32
    %dma_wait3A_63 = tpu.memref_slice %arg3[%dma_wait3A_61, %dma_wait3A_62] : memref<2048x128xf32, #tpu.memory_space<hbm>> -> memref<2048x128xf32, #tpu.memory_space<hbm>>
    tpu.wait_indirect_dma semaphore(%arg12 : memref<!tpu.dma_semaphore, #tpu.memory_space<semaphore_mem>>) src(%dma_wait3A_63 : memref<2048x128xf32, #tpu.memory_space<hbm>>) dst(%arg10 : memref<128x128xf32, #tpu.memory_space<vmem>>)
    %add3A_64 = arith.constant 0 : i32
    %add3A_65 = arith.addi %mul3A_2, %add3A_64 : i32
    "tpu.region"() ({
      %run_scoped3A = tpu.sem_alloc : memref<!tpu.dma_semaphore, #tpu.memory_space<semaphore_mem>>
      %dma_start3A_97 = arith.constant 0 : i32
      %dma_start3A_98 = tpu.memref_slice %arg7[%add3A_65, %dma_start3A_97] : memref<16384x128xf32, #tpu.memory_space<hbm>> -> memref<128x128xf32, #tpu.memory_space<hbm>>
      %dma_start3A_99 = arith.constant 0 : i32
      %dma_start3A_100 = tpu.memref_slice %arg7[%add3A_65, %dma_start3A_99] : memref<16384x128xf32, #tpu.memory_space<hbm>> -> memref<128x128xf32, #tpu.memory_space<hbm>>
      tpu.enqueue_dma source(%arg10 : memref<128x128xf32, #tpu.memory_space<vmem>>) target(%dma_start3A_100 : memref<128x128xf32, #tpu.memory_space<hbm>>) target_semaphore(%run_scoped3A : memref<!tpu.dma_semaphore, #tpu.memory_space<semaphore_mem>>)
      %dma_wait3A_101 = arith.constant 0 : i32
      %dma_wait3A_102 = tpu.memref_slice %arg7[%add3A_65, %dma_wait3A_101] : memref<16384x128xf32, #tpu.memory_space<hbm>> -> memref<128x128xf32, #tpu.memory_space<hbm>>
      %dma_wait3A_103 = arith.constant 0 : i32
      %dma_wait3A_104 = tpu.memref_slice %arg7[%add3A_65, %dma_wait3A_103] : memref<16384x128xf32, #tpu.memory_space<hbm>> -> memref<128x128xf32, #tpu.memory_space<hbm>>
      tpu.wait_dma2 semaphore(%run_scoped3A : memref<!tpu.dma_semaphore, #tpu.memory_space<semaphore_mem>>) src(%arg10 : memref<128x128xf32, #tpu.memory_space<vmem>>) dst(%dma_wait3A_104 : memref<128x128xf32, #tpu.memory_space<hbm>>)
      tpu.yield
    }) : () -> ()
    %dma_start3A_66 = arith.constant 256 : i32
    %dma_start3A_67 = tpu.memref_slice %arg9[%dma_start3A_66] : memref<512xi32, #tpu.memory_space<vmem>> -> memref<128xi32, #tpu.memory_space<vmem>>
    %dma_start3A_68 = arith.constant 0 : i32
    %dma_start3A_69 = arith.constant 0 : i32
    %dma_start3A_70 = tpu.memref_slice %arg3[%dma_start3A_68, %dma_start3A_69] : memref<2048x128xf32, #tpu.memory_space<hbm>> -> memref<2048x128xf32, #tpu.memory_space<hbm>>
    tpu.enqueue_indirect_dma source(%dma_start3A_70 : memref<2048x128xf32, #tpu.memory_space<hbm>>) target(%arg10 : memref<128x128xf32, #tpu.memory_space<vmem>>) offsets(%dma_start3A_67 : memref<128xi32, #tpu.memory_space<vmem>>) semaphore(%arg12 : memref<!tpu.dma_semaphore, #tpu.memory_space<semaphore_mem>>)
    %dma_wait3A_71 = arith.constant 128 : i32
    %dma_wait3A_72 = tpu.memref_slice %arg9[%dma_wait3A_71] : memref<512xi32, #tpu.memory_space<vmem>> -> memref<128xi32, #tpu.memory_space<vmem>>
    %dma_wait3A_73 = arith.constant 0 : i32
    %dma_wait3A_74 = arith.constant 0 : i32
    %dma_wait3A_75 = tpu.memref_slice %arg3[%dma_wait3A_73, %dma_wait3A_74] : memref<2048x128xf32, #tpu.memory_space<hbm>> -> memref<2048x128xf32, #tpu.memory_space<hbm>>
    tpu.wait_indirect_dma semaphore(%arg13 : memref<!tpu.dma_semaphore, #tpu.memory_space<semaphore_mem>>) src(%dma_wait3A_75 : memref<2048x128xf32, #tpu.memory_space<hbm>>) dst(%arg11 : memref<128x128xf32, #tpu.memory_space<vmem>>)
    %add3A_76 = arith.constant 128 : i32
    %add3A_77 = arith.addi %mul3A_2, %add3A_76 : i32
    "tpu.region"() ({
      %run_scoped3A = tpu.sem_alloc : memref<!tpu.dma_semaphore, #tpu.memory_space<semaphore_mem>>
      %dma_start3A_97 = arith.constant 0 : i32
      %dma_start3A_98 = tpu.memref_slice %arg7[%add3A_77, %dma_start3A_97] : memref<16384x128xf32, #tpu.memory_space<hbm>> -> memref<128x128xf32, #tpu.memory_space<hbm>>
      %dma_start3A_99 = arith.constant 0 : i32
      %dma_start3A_100 = tpu.memref_slice %arg7[%add3A_77, %dma_start3A_99] : memref<16384x128xf32, #tpu.memory_space<hbm>> -> memref<128x128xf32, #tpu.memory_space<hbm>>
      tpu.enqueue_dma source(%arg11 : memref<128x128xf32, #tpu.memory_space<vmem>>) target(%dma_start3A_100 : memref<128x128xf32, #tpu.memory_space<hbm>>) target_semaphore(%run_scoped3A : memref<!tpu.dma_semaphore, #tpu.memory_space<semaphore_mem>>)
      %dma_wait3A_101 = arith.constant 0 : i32
      %dma_wait3A_102 = tpu.memref_slice %arg7[%add3A_77, %dma_wait3A_101] : memref<16384x128xf32, #tpu.memory_space<hbm>> -> memref<128x128xf32, #tpu.memory_space<hbm>>
      %dma_wait3A_103 = arith.constant 0 : i32
      %dma_wait3A_104 = tpu.memref_slice %arg7[%add3A_77, %dma_wait3A_103] : memref<16384x128xf32, #tpu.memory_space<hbm>> -> memref<128x128xf32, #tpu.memory_space<hbm>>
      tpu.wait_dma2 semaphore(%run_scoped3A : memref<!tpu.dma_semaphore, #tpu.memory_space<semaphore_mem>>) src(%arg11 : memref<128x128xf32, #tpu.memory_space<vmem>>) dst(%dma_wait3A_104 : memref<128x128xf32, #tpu.memory_space<hbm>>)
      tpu.yield
    }) : () -> ()
    %dma_start3A_78 = arith.constant 384 : i32
    %dma_start3A_79 = tpu.memref_slice %arg9[%dma_start3A_78] : memref<512xi32, #tpu.memory_space<vmem>> -> memref<128xi32, #tpu.memory_space<vmem>>
    %dma_start3A_80 = arith.constant 0 : i32
    %dma_start3A_81 = arith.constant 0 : i32
    %dma_start3A_82 = tpu.memref_slice %arg3[%dma_start3A_80, %dma_start3A_81] : memref<2048x128xf32, #tpu.memory_space<hbm>> -> memref<2048x128xf32, #tpu.memory_space<hbm>>
    tpu.enqueue_indirect_dma source(%dma_start3A_82 : memref<2048x128xf32, #tpu.memory_space<hbm>>) target(%arg11 : memref<128x128xf32, #tpu.memory_space<vmem>>) offsets(%dma_start3A_79 : memref<128xi32, #tpu.memory_space<vmem>>) semaphore(%arg13 : memref<!tpu.dma_semaphore, #tpu.memory_space<semaphore_mem>>)
    %dma_wait3A_83 = arith.constant 256 : i32
    %dma_wait3A_84 = tpu.memref_slice %arg9[%dma_wait3A_83] : memref<512xi32, #tpu.memory_space<vmem>> -> memref<128xi32, #tpu.memory_space<vmem>>
    %dma_wait3A_85 = arith.constant 0 : i32
    %dma_wait3A_86 = arith.constant 0 : i32
    %dma_wait3A_87 = tpu.memref_slice %arg3[%dma_wait3A_85, %dma_wait3A_86] : memref<2048x128xf32, #tpu.memory_space<hbm>> -> memref<2048x128xf32, #tpu.memory_space<hbm>>
    tpu.wait_indirect_dma semaphore(%arg12 : memref<!tpu.dma_semaphore, #tpu.memory_space<semaphore_mem>>) src(%dma_wait3A_87 : memref<2048x128xf32, #tpu.memory_space<hbm>>) dst(%arg10 : memref<128x128xf32, #tpu.memory_space<vmem>>)
    %add3A_88 = arith.constant 256 : i32
    %add3A_89 = arith.addi %mul3A_2, %add3A_88 : i32
    "tpu.region"() ({
      %run_scoped3A = tpu.sem_alloc : memref<!tpu.dma_semaphore, #tpu.memory_space<semaphore_mem>>
      %dma_start3A_97 = arith.constant 0 : i32
      %dma_start3A_98 = tpu.memref_slice %arg7[%add3A_89, %dma_start3A_97] : memref<16384x128xf32, #tpu.memory_space<hbm>> -> memref<128x128xf32, #tpu.memory_space<hbm>>
      %dma_start3A_99 = arith.constant 0 : i32
      %dma_start3A_100 = tpu.memref_slice %arg7[%add3A_89, %dma_start3A_99] : memref<16384x128xf32, #tpu.memory_space<hbm>> -> memref<128x128xf32, #tpu.memory_space<hbm>>
      tpu.enqueue_dma source(%arg10 : memref<128x128xf32, #tpu.memory_space<vmem>>) target(%dma_start3A_100 : memref<128x128xf32, #tpu.memory_space<hbm>>) target_semaphore(%run_scoped3A : memref<!tpu.dma_semaphore, #tpu.memory_space<semaphore_mem>>)
      %dma_wait3A_101 = arith.constant 0 : i32
      %dma_wait3A_102 = tpu.memref_slice %arg7[%add3A_89, %dma_wait3A_101] : memref<16384x128xf32, #tpu.memory_space<hbm>> -> memref<128x128xf32, #tpu.memory_space<hbm>>
      %dma_wait3A_103 = arith.constant 0 : i32
      %dma_wait3A_104 = tpu.memref_slice %arg7[%add3A_89, %dma_wait3A_103] : memref<16384x128xf32, #tpu.memory_space<hbm>> -> memref<128x128xf32, #tpu.memory_space<hbm>>
      tpu.wait_dma2 semaphore(%run_scoped3A : memref<!tpu.dma_semaphore, #tpu.memory_space<semaphore_mem>>) src(%arg10 : memref<128x128xf32, #tpu.memory_space<vmem>>) dst(%dma_wait3A_104 : memref<128x128xf32, #tpu.memory_space<hbm>>)
      tpu.yield
    }) : () -> ()
    %dma_wait3A_90 = arith.constant 384 : i32
    %dma_wait3A_91 = tpu.memref_slice %arg9[%dma_wait3A_90] : memref<512xi32, #tpu.memory_space<vmem>> -> memref<128xi32, #tpu.memory_space<vmem>>
    %dma_wait3A_92 = arith.constant 0 : i32
    %dma_wait3A_93 = arith.constant 0 : i32
    %dma_wait3A_94 = tpu.memref_slice %arg3[%dma_wait3A_92, %dma_wait3A_93] : memref<2048x128xf32, #tpu.memory_space<hbm>> -> memref<2048x128xf32, #tpu.memory_space<hbm>>
    tpu.wait_indirect_dma semaphore(%arg13 : memref<!tpu.dma_semaphore, #tpu.memory_space<semaphore_mem>>) src(%dma_wait3A_94 : memref<2048x128xf32, #tpu.memory_space<hbm>>) dst(%arg11 : memref<128x128xf32, #tpu.memory_space<vmem>>)
    %add3A_95 = arith.constant 384 : i32
    %add3A_96 = arith.addi %mul3A_2, %add3A_95 : i32
    "tpu.region"() ({
      %run_scoped3A = tpu.sem_alloc : memref<!tpu.dma_semaphore, #tpu.memory_space<semaphore_mem>>
      %dma_start3A_97 = arith.constant 0 : i32
      %dma_start3A_98 = tpu.memref_slice %arg7[%add3A_96, %dma_start3A_97] : memref<16384x128xf32, #tpu.memory_space<hbm>> -> memref<128x128xf32, #tpu.memory_space<hbm>>
      %dma_start3A_99 = arith.constant 0 : i32
      %dma_start3A_100 = tpu.memref_slice %arg7[%add3A_96, %dma_start3A_99] : memref<16384x128xf32, #tpu.memory_space<hbm>> -> memref<128x128xf32, #tpu.memory_space<hbm>>
      tpu.enqueue_dma source(%arg11 : memref<128x128xf32, #tpu.memory_space<vmem>>) target(%dma_start3A_100 : memref<128x128xf32, #tpu.memory_space<hbm>>) target_semaphore(%run_scoped3A : memref<!tpu.dma_semaphore, #tpu.memory_space<semaphore_mem>>)
      %dma_wait3A_101 = arith.constant 0 : i32
      %dma_wait3A_102 = tpu.memref_slice %arg7[%add3A_96, %dma_wait3A_101] : memref<16384x128xf32, #tpu.memory_space<hbm>> -> memref<128x128xf32, #tpu.memory_space<hbm>>
      %dma_wait3A_103 = arith.constant 0 : i32
      %dma_wait3A_104 = tpu.memref_slice %arg7[%add3A_96, %dma_wait3A_103] : memref<16384x128xf32, #tpu.memory_space<hbm>> -> memref<128x128xf32, #tpu.memory_space<hbm>>
      tpu.wait_dma2 semaphore(%run_scoped3A : memref<!tpu.dma_semaphore, #tpu.memory_space<semaphore_mem>>) src(%arg11 : memref<128x128xf32, #tpu.memory_space<vmem>>) dst(%dma_wait3A_104 : memref<128x128xf32, #tpu.memory_space<hbm>>)
      tpu.yield
    }) : () -> ()
    return
  }
}

module attributes {stable_mosaic.version = 14 : i64} {
  func.func @_scan_body(%arg0: memref<8x2048xi32, #tpu.memory_space<vmem>>, %arg1: memref<8x2048xi32, #tpu.memory_space<vmem>>, %arg2: memref<8x2048xi32, #tpu.memory_space<vmem>>) attributes {dimension_semantics = [], scalar_prefetch = 0 : i64, scratch_operands = 0 : i64, tpu.core_type = #tpu.core_type<tc>} {
    %get3A = arith.constant 0 : index
    %get3A_0 = arith.constant 0 : index
    %get3A_1 = vector.load %arg0[%get3A, %get3A_0] : memref<8x2048xi32, #tpu.memory_space<vmem>>, vector<8x2048xi32>
    %slice3A = vector.extract_strided_slice %get3A_1 {offsets = [0, 0], sizes = [8, 1], strides = [1, 1]} : vector<8x2048xi32> to vector<8x1xi32>
    %eq3A = vector.broadcast %slice3A : vector<8x1xi32> to vector<8x2048xi32>
    %eq3A_2 = arith.cmpi eq, %get3A_1, %eq3A : vector<8x2048xi32>
    %convert_element_type3A = arith.extui %eq3A_2 : vector<8x2048xi1> to vector<8x2048xi32>
    %iota3A = tpu.iota {dimensions = array<i32: 1>} : vector<8x2048xi32>
    %mul3A = arith.muli %iota3A, %convert_element_type3A : vector<8x2048xi32>
    %broadcast_in_dim3A = arith.constant 0 : i32
    %broadcast_in_dim3A_3 = vector.broadcast %broadcast_in_dim3A : i32 to vector<8x1xi32>
    %slice3A_4 = vector.extract_strided_slice %mul3A {offsets = [0, 0], sizes = [8, 2047], strides = [1, 1]} : vector<8x2048xi32> to vector<8x2047xi32>
    %concatenate3A = tpu.concatenate %broadcast_in_dim3A_3, %slice3A_4 in 1 : vector<8x1xi32>, vector<8x2047xi32> -> vector<8x2048xi32>
    %max3A = arith.maxsi %mul3A, %concatenate3A : vector<8x2048xi32>
    %broadcast_in_dim3A_5 = arith.constant 0 : i32
    %broadcast_in_dim3A_6 = vector.broadcast %broadcast_in_dim3A_5 : i32 to vector<8x2xi32>
    %slice3A_7 = vector.extract_strided_slice %max3A {offsets = [0, 0], sizes = [8, 2046], strides = [1, 1]} : vector<8x2048xi32> to vector<8x2046xi32>
    %concatenate3A_8 = tpu.concatenate %broadcast_in_dim3A_6, %slice3A_7 in 1 : vector<8x2xi32>, vector<8x2046xi32> -> vector<8x2048xi32>
    %max3A_9 = arith.maxsi %max3A, %concatenate3A_8 : vector<8x2048xi32>
    %broadcast_in_dim3A_10 = arith.constant 0 : i32
    %broadcast_in_dim3A_11 = vector.broadcast %broadcast_in_dim3A_10 : i32 to vector<8x4xi32>
    %slice3A_12 = vector.extract_strided_slice %max3A_9 {offsets = [0, 0], sizes = [8, 2044], strides = [1, 1]} : vector<8x2048xi32> to vector<8x2044xi32>
    %concatenate3A_13 = tpu.concatenate %broadcast_in_dim3A_11, %slice3A_12 in 1 : vector<8x4xi32>, vector<8x2044xi32> -> vector<8x2048xi32>
    %max3A_14 = arith.maxsi %max3A_9, %concatenate3A_13 : vector<8x2048xi32>
    %broadcast_in_dim3A_15 = arith.constant 0 : i32
    %broadcast_in_dim3A_16 = vector.broadcast %broadcast_in_dim3A_15 : i32 to vector<8x8xi32>
    %slice3A_17 = vector.extract_strided_slice %max3A_14 {offsets = [0, 0], sizes = [8, 2040], strides = [1, 1]} : vector<8x2048xi32> to vector<8x2040xi32>
    %concatenate3A_18 = tpu.concatenate %broadcast_in_dim3A_16, %slice3A_17 in 1 : vector<8x8xi32>, vector<8x2040xi32> -> vector<8x2048xi32>
    %max3A_19 = arith.maxsi %max3A_14, %concatenate3A_18 : vector<8x2048xi32>
    %broadcast_in_dim3A_20 = arith.constant 0 : i32
    %broadcast_in_dim3A_21 = vector.broadcast %broadcast_in_dim3A_20 : i32 to vector<8x16xi32>
    %slice3A_22 = vector.extract_strided_slice %max3A_19 {offsets = [0, 0], sizes = [8, 2032], strides = [1, 1]} : vector<8x2048xi32> to vector<8x2032xi32>
    %concatenate3A_23 = tpu.concatenate %broadcast_in_dim3A_21, %slice3A_22 in 1 : vector<8x16xi32>, vector<8x2032xi32> -> vector<8x2048xi32>
    %max3A_24 = arith.maxsi %max3A_19, %concatenate3A_23 : vector<8x2048xi32>
    %broadcast_in_dim3A_25 = arith.constant 0 : i32
    %broadcast_in_dim3A_26 = vector.broadcast %broadcast_in_dim3A_25 : i32 to vector<8x32xi32>
    %slice3A_27 = vector.extract_strided_slice %max3A_24 {offsets = [0, 0], sizes = [8, 2016], strides = [1, 1]} : vector<8x2048xi32> to vector<8x2016xi32>
    %concatenate3A_28 = tpu.concatenate %broadcast_in_dim3A_26, %slice3A_27 in 1 : vector<8x32xi32>, vector<8x2016xi32> -> vector<8x2048xi32>
    %max3A_29 = arith.maxsi %max3A_24, %concatenate3A_28 : vector<8x2048xi32>
    %broadcast_in_dim3A_30 = arith.constant 0 : i32
    %broadcast_in_dim3A_31 = vector.broadcast %broadcast_in_dim3A_30 : i32 to vector<8x64xi32>
    %slice3A_32 = vector.extract_strided_slice %max3A_29 {offsets = [0, 0], sizes = [8, 1984], strides = [1, 1]} : vector<8x2048xi32> to vector<8x1984xi32>
    %concatenate3A_33 = tpu.concatenate %broadcast_in_dim3A_31, %slice3A_32 in 1 : vector<8x64xi32>, vector<8x1984xi32> -> vector<8x2048xi32>
    %max3A_34 = arith.maxsi %max3A_29, %concatenate3A_33 : vector<8x2048xi32>
    %broadcast_in_dim3A_35 = arith.constant 0 : i32
    %broadcast_in_dim3A_36 = vector.broadcast %broadcast_in_dim3A_35 : i32 to vector<8x128xi32>
    %slice3A_37 = vector.extract_strided_slice %max3A_34 {offsets = [0, 0], sizes = [8, 1920], strides = [1, 1]} : vector<8x2048xi32> to vector<8x1920xi32>
    %concatenate3A_38 = tpu.concatenate %broadcast_in_dim3A_36, %slice3A_37 in 1 : vector<8x128xi32>, vector<8x1920xi32> -> vector<8x2048xi32>
    %max3A_39 = arith.maxsi %max3A_34, %concatenate3A_38 : vector<8x2048xi32>
    %broadcast_in_dim3A_40 = arith.constant 0 : i32
    %broadcast_in_dim3A_41 = vector.broadcast %broadcast_in_dim3A_40 : i32 to vector<8x256xi32>
    %slice3A_42 = vector.extract_strided_slice %max3A_39 {offsets = [0, 0], sizes = [8, 1792], strides = [1, 1]} : vector<8x2048xi32> to vector<8x1792xi32>
    %concatenate3A_43 = tpu.concatenate %broadcast_in_dim3A_41, %slice3A_42 in 1 : vector<8x256xi32>, vector<8x1792xi32> -> vector<8x2048xi32>
    %max3A_44 = arith.maxsi %max3A_39, %concatenate3A_43 : vector<8x2048xi32>
    %broadcast_in_dim3A_45 = arith.constant 0 : i32
    %broadcast_in_dim3A_46 = vector.broadcast %broadcast_in_dim3A_45 : i32 to vector<8x512xi32>
    %slice3A_47 = vector.extract_strided_slice %max3A_44 {offsets = [0, 0], sizes = [8, 1536], strides = [1, 1]} : vector<8x2048xi32> to vector<8x1536xi32>
    %concatenate3A_48 = tpu.concatenate %broadcast_in_dim3A_46, %slice3A_47 in 1 : vector<8x512xi32>, vector<8x1536xi32> -> vector<8x2048xi32>
    %max3A_49 = arith.maxsi %max3A_44, %concatenate3A_48 : vector<8x2048xi32>
    %broadcast_in_dim3A_50 = arith.constant 0 : i32
    %broadcast_in_dim3A_51 = vector.broadcast %broadcast_in_dim3A_50 : i32 to vector<8x1024xi32>
    %slice3A_52 = vector.extract_strided_slice %max3A_49 {offsets = [0, 0], sizes = [8, 1024], strides = [1, 1]} : vector<8x2048xi32> to vector<8x1024xi32>
    %concatenate3A_53 = tpu.concatenate %broadcast_in_dim3A_51, %slice3A_52 in 1 : vector<8x1024xi32>, vector<8x1024xi32> -> vector<8x2048xi32>
    %max3A_54 = arith.maxsi %max3A_49, %concatenate3A_53 : vector<8x2048xi32>
    %swap3A = arith.constant 0 : index
    %swap3A_55 = arith.constant 0 : index
    %swap3A_56 = vector.load %arg1[%swap3A, %swap3A_55] : memref<8x2048xi32, #tpu.memory_space<vmem>>, vector<8x2048xi32>
    tpu.vector_store %arg1[%swap3A, %swap3A_55], %max3A_54 {strides = array<i32>} : memref<8x2048xi32, #tpu.memory_space<vmem>>, vector<8x2048xi32>,
    %sub3A = arith.subi %iota3A, %max3A_54 : vector<8x2048xi32>
    %swap3A_57 = arith.constant 0 : index
    %swap3A_58 = arith.constant 0 : index
    %swap3A_59 = vector.load %arg2[%swap3A_57, %swap3A_58] : memref<8x2048xi32, #tpu.memory_space<vmem>>, vector<8x2048xi32>
    tpu.vector_store %arg2[%swap3A_57, %swap3A_58], %sub3A {strides = array<i32>} : memref<8x2048xi32, #tpu.memory_space<vmem>>, vector<8x2048xi32>,
    return
  }
}

module attributes {stable_mosaic.version = 14 : i64} {
  func.func @_fused_body(%arg0: i32, %arg1: i32, %arg2: memref<1x1024x1xi32, #tpu.memory_space<vmem>>, %arg3: memref<1x1x2048xi32, #tpu.memory_space<vmem>>, %arg4: memref<1x1x2048xi32, #tpu.memory_space<vmem>>, %arg5: memref<1x1024x128xf32, #tpu.memory_space<vmem>>, %arg6: memref<1x1024x128xf32, #tpu.memory_space<vmem>>, %arg7: memref<1x1024x1xi32, #tpu.memory_space<vmem>>, %arg8: memref<2x128xf32, #tpu.memory_space<vmem>>, %arg9: memref<1x128xf32, #tpu.memory_space<vmem>>, %arg10: memref<1x128xf32, #tpu.memory_space<vmem>>, %arg11: memref<128x768xf32, #tpu.memory_space<vmem>>, %arg12: memref<1x1024x2048xf32, #tpu.memory_space<vmem>>, %arg13: memref<1x1024x768xf32, #tpu.memory_space<vmem>>) attributes {dimension_semantics = [#tpu.dimension_semantics<arbitrary>, #tpu.dimension_semantics<arbitrary>], iteration_bounds = array<i64: 8, 2>, scalar_prefetch = 0 : i64, scratch_operands = 0 : i64, tpu.core_type = #tpu.core_type<tc>, window_params = [{transform_indices = @transform_0, window_bounds = array<i64: 1, 1024, 1>}, {transform_indices = @transform_1, window_bounds = array<i64: 1, 1, 2048>}, {transform_indices = @transform_2, window_bounds = array<i64: 1, 1, 2048>}, {transform_indices = @transform_3, window_bounds = array<i64: 1, 1024, 128>}, {transform_indices = @transform_4, window_bounds = array<i64: 1, 1024, 128>}, {transform_indices = @transform_5, window_bounds = array<i64: 1, 1024, 1>}, {pipeline_mode = #tpu.pipeline_mode<synchronous>, transform_indices = @transform_6, window_bounds = array<i64: 2, 128>}, {pipeline_mode = #tpu.pipeline_mode<synchronous>, transform_indices = @transform_7, window_bounds = array<i64: 1, 128>}, {pipeline_mode = #tpu.pipeline_mode<synchronous>, transform_indices = @transform_8, window_bounds = array<i64: 1, 128>}, {pipeline_mode = #tpu.pipeline_mode<synchronous>, transform_indices = @transform_9, window_bounds = array<i64: 128, 768>}, {transform_indices = @transform_10, window_bounds = array<i64: 1, 1024, 2048>}, {transform_indices = @transform_11, window_bounds = array<i64: 1, 1024, 768>}]} {
    %get3A = arith.constant 0 : index
    %get3A_0 = arith.constant 0 : index
    %get3A_1 = arith.constant 0 : index
    %get3A_2 = vector.load %arg5[%get3A, %get3A_0, %get3A_1] : memref<1x1024x128xf32, #tpu.memory_space<vmem>>, vector<1x1024x128xf32>
    %get3A_3 = vector.shape_cast %get3A_2 : vector<1x1024x128xf32> to vector<1024x128xf32>
    %get3A_4 = arith.constant 0 : index
    %get3A_5 = arith.constant 0 : index
    %get3A_6 = arith.constant 0 : index
    %get3A_7 = vector.load %arg6[%get3A_4, %get3A_5, %get3A_6] : memref<1x1024x128xf32, #tpu.memory_space<vmem>>, vector<1x1024x128xf32>
    %get3A_8 = vector.shape_cast %get3A_7 : vector<1x1024x128xf32> to vector<1024x128xf32>
    %add3A = arith.addf %get3A_3, %get3A_8 : vector<1024x128xf32>
    %get3A_9 = arith.constant 0 : index
    %get3A_10 = arith.constant 0 : index
    %get3A_11 = arith.constant 0 : index
    %get3A_12 = vector.load %arg7[%get3A_9, %get3A_10, %get3A_11] : memref<1x1024x1xi32, #tpu.memory_space<vmem>>, vector<1x1024x1xi32>
    %get3A_13 = vector.shape_cast %get3A_12 : vector<1x1024x1xi32> to vector<1024x1xi32>
    %convert_element_type3A = arith.sitofp %get3A_13 : vector<1024x1xi32> to vector<1024x1xf32>
    %get3A_14 = arith.constant 0 : index
    %get3A_15 = arith.constant 0 : index
    %get3A_16 = vector.load %arg8[%get3A_14, %get3A_15] : memref<2x128xf32, #tpu.memory_space<vmem>>, vector<1x128xf32>
    %get3A_17 = arith.constant 1 : index
    %get3A_18 = arith.constant 0 : index
    %get3A_19 = vector.load %arg8[%get3A_17, %get3A_18] : memref<2x128xf32, #tpu.memory_space<vmem>>, vector<1x128xf32>
    %add3A_20 = vector.broadcast %get3A_16 : vector<1x128xf32> to vector<1024x128xf32>
    %add3A_21 = arith.addf %add3A, %add3A_20 : vector<1024x128xf32>
    %sub3A = arith.subf %get3A_19, %get3A_16 : vector<1x128xf32>
    %mul3A = vector.broadcast %convert_element_type3A : vector<1024x1xf32> to vector<1024x128xf32>
    %mul3A_22 = vector.broadcast %sub3A : vector<1x128xf32> to vector<1024x128xf32>
    %mul3A_23 = arith.mulf %mul3A, %mul3A_22 : vector<1024x128xf32>
    %add3A_24 = arith.addf %add3A_21, %mul3A_23 : vector<1024x128xf32>
    %reduce_sum3A = arith.constant dense<0.000000e+00> : vector<1024xf32>
    %reduce_sum3A_25 = vector.multi_reduction <add>, %add3A_24, %reduce_sum3A [1] : vector<1024x128xf32> to vector<1024xf32>
    %broadcast_in_dim3A = vector.shape_cast %reduce_sum3A_25 : vector<1024xf32> to vector<1024x1xf32>
    %div3A = arith.constant 1.280000e+02 : f32
    %div3A_26 = vector.broadcast %div3A : f32 to vector<1024x1xf32>
    %div3A_27 = arith.divf %broadcast_in_dim3A, %div3A_26 : vector<1024x1xf32>
    %sub3A_28 = vector.broadcast %div3A_27 : vector<1024x1xf32> to vector<1024x128xf32>
    %sub3A_29 = arith.subf %add3A_24, %sub3A_28 : vector<1024x128xf32>
    %mul3A_30 = arith.mulf %sub3A_29, %sub3A_29 : vector<1024x128xf32>
    %reduce_sum3A_31 = arith.constant dense<0.000000e+00> : vector<1024xf32>
    %reduce_sum3A_32 = vector.multi_reduction <add>, %mul3A_30, %reduce_sum3A_31 [1] : vector<1024x128xf32> to vector<1024xf32>
    %broadcast_in_dim3A_33 = vector.shape_cast %reduce_sum3A_32 : vector<1024xf32> to vector<1024x1xf32>
    %div3A_34 = arith.constant 1.280000e+02 : f32
    %div3A_35 = vector.broadcast %div3A_34 : f32 to vector<1024x1xf32>
    %div3A_36 = arith.divf %broadcast_in_dim3A_33, %div3A_35 : vector<1024x1xf32>
    %add3A_37 = arith.constant 9.99999996E-13 : f32
    %add3A_38 = vector.broadcast %add3A_37 : f32 to vector<1024x1xf32>
    %add3A_39 = arith.addf %div3A_36, %add3A_38 : vector<1024x1xf32>
    %rsqrt3A = math.rsqrt %add3A_39 : vector<1024x1xf32>
    %mul3A_40 = vector.broadcast %rsqrt3A : vector<1024x1xf32> to vector<1024x128xf32>
    %mul3A_41 = arith.mulf %sub3A_29, %mul3A_40 : vector<1024x128xf32>
    %get3A_42 = arith.constant 0 : index
    %get3A_43 = arith.constant 0 : index
    %get3A_44 = vector.load %arg9[%get3A_42, %get3A_43] : memref<1x128xf32, #tpu.memory_space<vmem>>, vector<1x128xf32>
    %mul3A_45 = vector.broadcast %get3A_44 : vector<1x128xf32> to vector<1024x128xf32>
    %mul3A_46 = arith.mulf %mul3A_41, %mul3A_45 : vector<1024x128xf32>
    %get3A_47 = arith.constant 0 : index
    %get3A_48 = arith.constant 0 : index
    %get3A_49 = vector.load %arg10[%get3A_47, %get3A_48] : memref<1x128xf32, #tpu.memory_space<vmem>>, vector<1x128xf32>
    %add3A_50 = vector.broadcast %get3A_49 : vector<1x128xf32> to vector<1024x128xf32>
    %add3A_51 = arith.addf %mul3A_46, %add3A_50 : vector<1024x128xf32>
    %get3A_52 = arith.constant 0 : index
    %get3A_53 = arith.constant 0 : index
    %get3A_54 = vector.load %arg11[%get3A_52, %get3A_53] : memref<128x768xf32, #tpu.memory_space<vmem>>, vector<128x768xf32>
    %dot_general3A = arith.constant dense<0.000000e+00> : vector<1024x768xf32>
    %dot_general3A_55 = tpu.matmul %add3A_51, %get3A_54, %dot_general3A {dimension_numbers = #tpu.dot_dimension_numbers<[1], [0], [0], [1], [0, 0, 1, 1], [], []>, transpose_lhs_hint = false} : vector<1024x128xf32>, vector<128x768xf32>, vector<1024x768xf32> -> vector<1024x768xf32>
    %swap3A = arith.constant 0 : index
    %swap3A_56 = arith.constant 0 : index
    %swap3A_57 = arith.constant 0 : index
    %swap3A_58 = vector.load %arg13[%swap3A, %swap3A_56, %swap3A_57] : memref<1x1024x768xf32, #tpu.memory_space<vmem>>, vector<1x1024x768xf32>
    %swap3A_59 = vector.shape_cast %swap3A_58 : vector<1x1024x768xf32> to vector<1024x768xf32>
    %swap3A_60 = vector.shape_cast %dot_general3A_55 : vector<1024x768xf32> to vector<1x1024x768xf32>
    tpu.vector_store %arg13[%swap3A, %swap3A_56, %swap3A_57], %swap3A_60 {strides = array<i32>} : memref<1x1024x768xf32, #tpu.memory_space<vmem>>, vector<1x1024x768xf32>,
    %get3A_61 = arith.constant 0 : index
    %get3A_62 = arith.constant 0 : index
    %get3A_63 = arith.constant 0 : index
    %get3A_64 = vector.load %arg2[%get3A_61, %get3A_62, %get3A_63] : memref<1x1024x1xi32, #tpu.memory_space<vmem>>, vector<1x1024x1xi32>
    %get3A_65 = arith.constant 0 : index
    %get3A_66 = arith.constant 0 : index
    %get3A_67 = arith.constant 0 : index
    %get3A_68 = vector.load %arg3[%get3A_65, %get3A_66, %get3A_67] : memref<1x1x2048xi32, #tpu.memory_space<vmem>>, vector<1x1x2048xi32>
    %get3A_69 = arith.constant 0 : index
    %get3A_70 = arith.constant 0 : index
    %get3A_71 = arith.constant 0 : index
    %get3A_72 = vector.load %arg4[%get3A_69, %get3A_70, %get3A_71] : memref<1x1x2048xi32, #tpu.memory_space<vmem>>, vector<1x1x2048xi32>
    %convert_element_type3A_73 = arith.sitofp %get3A_72 : vector<1x1x2048xi32> to vector<1x1x2048xf32>
    %slice3A = vector.extract_strided_slice %get3A_68 {offsets = [0, 0, 0], sizes = [1, 1, 512], strides = [1, 1, 1]} : vector<1x1x2048xi32> to vector<1x1x512xi32>
    %eq3A = vector.broadcast %get3A_64 : vector<1x1024x1xi32> to vector<1x1024x512xi32>
    %eq3A_74 = vector.broadcast %slice3A : vector<1x1x512xi32> to vector<1x1024x512xi32>
    %eq3A_75 = arith.cmpi eq, %eq3A, %eq3A_74 : vector<1x1024x512xi32>
    %convert_element_type3A_76 = arith.extui %eq3A_75 : vector<1x1024x512xi1> to vector<1x1024x512xi32>
    %convert_element_type3A_77 = arith.sitofp %convert_element_type3A_76 : vector<1x1024x512xi32> to vector<1x1024x512xf32>
    %slice3A_78 = vector.extract_strided_slice %convert_element_type3A_73 {offsets = [0, 0, 0], sizes = [1, 1, 512], strides = [1, 1, 1]} : vector<1x1x2048xf32> to vector<1x1x512xf32>
    %mul3A_79 = vector.broadcast %slice3A_78 : vector<1x1x512xf32> to vector<1x1024x512xf32>
    %mul3A_80 = arith.mulf %convert_element_type3A_77, %mul3A_79 : vector<1x1024x512xf32>
    %swap3A_81 = arith.constant 0 : index
    %swap3A_82 = arith.constant 0 : index
    %swap3A_83 = arith.constant 0 : index
    %swap3A_84 = vector.load %arg12[%swap3A_81, %swap3A_82, %swap3A_83] : memref<1x1024x2048xf32, #tpu.memory_space<vmem>>, vector<1x1024x512xf32>
    tpu.vector_store %arg12[%swap3A_81, %swap3A_82, %swap3A_83], %mul3A_80 {strides = array<i32>} : memref<1x1024x2048xf32, #tpu.memory_space<vmem>>, vector<1x1024x512xf32>,
    %slice3A_85 = vector.extract_strided_slice %get3A_68 {offsets = [0, 0, 512], sizes = [1, 1, 512], strides = [1, 1, 1]} : vector<1x1x2048xi32> to vector<1x1x512xi32>
    %eq3A_86 = vector.broadcast %get3A_64 : vector<1x1024x1xi32> to vector<1x1024x512xi32>
    %eq3A_87 = vector.broadcast %slice3A_85 : vector<1x1x512xi32> to vector<1x1024x512xi32>
    %eq3A_88 = arith.cmpi eq, %eq3A_86, %eq3A_87 : vector<1x1024x512xi32>
    %convert_element_type3A_89 = arith.extui %eq3A_88 : vector<1x1024x512xi1> to vector<1x1024x512xi32>
    %convert_element_type3A_90 = arith.sitofp %convert_element_type3A_89 : vector<1x1024x512xi32> to vector<1x1024x512xf32>
    %slice3A_91 = vector.extract_strided_slice %convert_element_type3A_73 {offsets = [0, 0, 512], sizes = [1, 1, 512], strides = [1, 1, 1]} : vector<1x1x2048xf32> to vector<1x1x512xf32>
    %mul3A_92 = vector.broadcast %slice3A_91 : vector<1x1x512xf32> to vector<1x1024x512xf32>
    %mul3A_93 = arith.mulf %convert_element_type3A_90, %mul3A_92 : vector<1x1024x512xf32>
    %swap3A_94 = arith.constant 0 : index
    %swap3A_95 = arith.constant 0 : index
    %swap3A_96 = arith.constant 512 : index
    %swap3A_97 = vector.load %arg12[%swap3A_94, %swap3A_95, %swap3A_96] : memref<1x1024x2048xf32, #tpu.memory_space<vmem>>, vector<1x1024x512xf32>
    tpu.vector_store %arg12[%swap3A_94, %swap3A_95, %swap3A_96], %mul3A_93 {strides = array<i32>} : memref<1x1024x2048xf32, #tpu.memory_space<vmem>>, vector<1x1024x512xf32>,
    %slice3A_98 = vector.extract_strided_slice %get3A_68 {offsets = [0, 0, 1024], sizes = [1, 1, 512], strides = [1, 1, 1]} : vector<1x1x2048xi32> to vector<1x1x512xi32>
    %eq3A_99 = vector.broadcast %get3A_64 : vector<1x1024x1xi32> to vector<1x1024x512xi32>
    %eq3A_100 = vector.broadcast %slice3A_98 : vector<1x1x512xi32> to vector<1x1024x512xi32>
    %eq3A_101 = arith.cmpi eq, %eq3A_99, %eq3A_100 : vector<1x1024x512xi32>
    %convert_element_type3A_102 = arith.extui %eq3A_101 : vector<1x1024x512xi1> to vector<1x1024x512xi32>
    %convert_element_type3A_103 = arith.sitofp %convert_element_type3A_102 : vector<1x1024x512xi32> to vector<1x1024x512xf32>
    %slice3A_104 = vector.extract_strided_slice %convert_element_type3A_73 {offsets = [0, 0, 1024], sizes = [1, 1, 512], strides = [1, 1, 1]} : vector<1x1x2048xf32> to vector<1x1x512xf32>
    %mul3A_105 = vector.broadcast %slice3A_104 : vector<1x1x512xf32> to vector<1x1024x512xf32>
    %mul3A_106 = arith.mulf %convert_element_type3A_103, %mul3A_105 : vector<1x1024x512xf32>
    %swap3A_107 = arith.constant 0 : index
    %swap3A_108 = arith.constant 0 : index
    %swap3A_109 = arith.constant 1024 : index
    %swap3A_110 = vector.load %arg12[%swap3A_107, %swap3A_108, %swap3A_109] : memref<1x1024x2048xf32, #tpu.memory_space<vmem>>, vector<1x1024x512xf32>
    tpu.vector_store %arg12[%swap3A_107, %swap3A_108, %swap3A_109], %mul3A_106 {strides = array<i32>} : memref<1x1024x2048xf32, #tpu.memory_space<vmem>>, vector<1x1024x512xf32>,
    %slice3A_111 = vector.extract_strided_slice %get3A_68 {offsets = [0, 0, 1536], sizes = [1, 1, 512], strides = [1, 1, 1]} : vector<1x1x2048xi32> to vector<1x1x512xi32>
    %eq3A_112 = vector.broadcast %get3A_64 : vector<1x1024x1xi32> to vector<1x1024x512xi32>
    %eq3A_113 = vector.broadcast %slice3A_111 : vector<1x1x512xi32> to vector<1x1024x512xi32>
    %eq3A_114 = arith.cmpi eq, %eq3A_112, %eq3A_113 : vector<1x1024x512xi32>
    %convert_element_type3A_115 = arith.extui %eq3A_114 : vector<1x1024x512xi1> to vector<1x1024x512xi32>
    %convert_element_type3A_116 = arith.sitofp %convert_element_type3A_115 : vector<1x1024x512xi32> to vector<1x1024x512xf32>
    %slice3A_117 = vector.extract_strided_slice %convert_element_type3A_73 {offsets = [0, 0, 1536], sizes = [1, 1, 512], strides = [1, 1, 1]} : vector<1x1x2048xf32> to vector<1x1x512xf32>
    %mul3A_118 = vector.broadcast %slice3A_117 : vector<1x1x512xf32> to vector<1x1024x512xf32>
    %mul3A_119 = arith.mulf %convert_element_type3A_116, %mul3A_118 : vector<1x1024x512xf32>
    %swap3A_120 = arith.constant 0 : index
    %swap3A_121 = arith.constant 0 : index
    %swap3A_122 = arith.constant 1536 : index
    %swap3A_123 = vector.load %arg12[%swap3A_120, %swap3A_121, %swap3A_122] : memref<1x1024x2048xf32, #tpu.memory_space<vmem>>, vector<1x1024x512xf32>
    tpu.vector_store %arg12[%swap3A_120, %swap3A_121, %swap3A_122], %mul3A_119 {strides = array<i32>} : memref<1x1024x2048xf32, #tpu.memory_space<vmem>>, vector<1x1024x512xf32>,
    return
  }
  func.func @transform_0(%arg0: i32, %arg1: i32) -> (i32, i32, i32) {
    %c0_i32 = arith.constant 0 : i32
    %c0_i32_0 = arith.constant 0 : i32
    return %arg0, %arg1, %c0_i32 : i32, i32, i32
  }
  func.func @transform_1(%arg0: i32, %arg1: i32) -> (i32, i32, i32) {
    %c0_i32 = arith.constant 0 : i32
    %c0_i32_0 = arith.constant 0 : i32
    %c0_i32_1 = arith.constant 0 : i32
    return %arg0, %c0_i32, %c0_i32_0 : i32, i32, i32
  }
  func.func @transform_2(%arg0: i32, %arg1: i32) -> (i32, i32, i32) {
    %c0_i32 = arith.constant 0 : i32
    %c0_i32_0 = arith.constant 0 : i32
    %c0_i32_1 = arith.constant 0 : i32
    return %arg0, %c0_i32, %c0_i32_0 : i32, i32, i32
  }
  func.func @transform_3(%arg0: i32, %arg1: i32) -> (i32, i32, i32) {
    %c0_i32 = arith.constant 0 : i32
    %c0_i32_0 = arith.constant 0 : i32
    return %arg0, %arg1, %c0_i32 : i32, i32, i32
  }
  func.func @transform_4(%arg0: i32, %arg1: i32) -> (i32, i32, i32) {
    %c0_i32 = arith.constant 0 : i32
    %c0_i32_0 = arith.constant 0 : i32
    return %arg0, %arg1, %c0_i32 : i32, i32, i32
  }
  func.func @transform_5(%arg0: i32, %arg1: i32) -> (i32, i32, i32) {
    %c0_i32 = arith.constant 0 : i32
    %c0_i32_0 = arith.constant 0 : i32
    return %arg0, %arg1, %c0_i32 : i32, i32, i32
  }
  func.func @transform_6(%arg0: i32, %arg1: i32) -> (i32, i32) {
    %c0_i32 = arith.constant 0 : i32
    %c0_i32_0 = arith.constant 0 : i32
    %c0_i32_1 = arith.constant 0 : i32
    return %c0_i32, %c0_i32_0 : i32, i32
  }
  func.func @transform_7(%arg0: i32, %arg1: i32) -> (i32, i32) {
    %c0_i32 = arith.constant 0 : i32
    %c0_i32_0 = arith.constant 0 : i32
    %c0_i32_1 = arith.constant 0 : i32
    return %c0_i32, %c0_i32_0 : i32, i32
  }
  func.func @transform_8(%arg0: i32, %arg1: i32) -> (i32, i32) {
    %c0_i32 = arith.constant 0 : i32
    %c0_i32_0 = arith.constant 0 : i32
    %c0_i32_1 = arith.constant 0 : i32
    return %c0_i32, %c0_i32_0 : i32, i32
  }
  func.func @transform_9(%arg0: i32, %arg1: i32) -> (i32, i32) {
    %c0_i32 = arith.constant 0 : i32
    %c0_i32_0 = arith.constant 0 : i32
    %c0_i32_1 = arith.constant 0 : i32
    return %c0_i32, %c0_i32_0 : i32, i32
  }
  func.func @transform_10(%arg0: i32, %arg1: i32) -> (i32, i32, i32) {
    %c0_i32 = arith.constant 0 : i32
    %c0_i32_0 = arith.constant 0 : i32
    return %arg0, %arg1, %c0_i32 : i32, i32, i32
  }
  func.func @transform_11(%arg0: i32, %arg1: i32) -> (i32, i32, i32) {
    %c0_i32 = arith.constant 0 : i32
    %c0_i32_0 = arith.constant 0 : i32
    return %arg0, %arg1, %c0_i32 : i32, i32, i32
  }
}

</mosaic_0001>

<sc_bundles>
// kernel: kernel.5.cloned.1.call-start
scs
__scs_entry_jumppad:
0x0: {  	(pc) =	sbr.rel $0x88, $3  }
0x1: {  	(tag) =	ssettag $0x0;
	lr =	simm.s32 $0x1  }
0x2: {  	[smem:$0x3F98] =	sst lr;
	_ =	strace $0xD0000000  }
0x3: {  	_ = 	snop  }
0x4: {  	_ = 	snop  }
0x5: {  	_ = 	snop  }
0x6: {  	_ = 	snop  }
0x7: {  	_ = 	snop  }
__scs_overlays_trampoline_lowered:
0x8: {  	[smem:$0x3FA7] =	sst s0  }
0x9: {  	[smem:$0x3FA8] =	sst s1  }
0xa: {  	[smem:$0x3FA9] =	sst s2  }
0xb: {  	[smem:$0x3FAA] =	sst s3  }
0xc: {  	[smem:$0x3FAB] =	sst s4  }
0xd: {  	[smem:$0x3FAC] =	sst s5  }
0xe: {  	[smem:$0x3FAD] =	sst s6  }
0xf: {  	[smem:$0x3FAE] =	sst s7  }
0x10: {  	[smem:$0x3FAF] =	sst s8  }
0x11: {  	[smem:$0x3FB0] =	sst s9;
	s0 =	simm.s32 @!p0 $0x0  }
0x12: {  	s1 =	sld [smem:$0x3F96];
	s0 =	simm.s32 @p0 $0x1  }
0x13: {  	[smem:$0x3FB1] =	sst s0;
	s0 =	simm.s32 @!p1 $0x0  }
0x14: {  	s2 =	sld [smem:$0x3F95];
	s0 =	simm.s32 @p1 $0x1  }
0x15: {  	[smem:$0x3FB2] =	sst s0;
	s0 =	simm.s32 @!p2 $0x0  }
0x16: {  	s3 =	sld [smem:$0x3FDB];
	s0 =	simm.s32 @p2 $0x1  }
0x17: {  	s4 =	simm.s32 $0x1BF5;
	[smem:$0x3FB4] =	sst s0  }
0x18: {  	s0 =	sld [smem:$0x3F97];
	_ =	swait.ge [sflag:s4], $0x0  }
0x19: {  	s7 =	sld [smem:$0x3F98]  }
0x1a: {  	s8 =	sadd.s32 $0xFFFFE003, lr  }
0x1b: {  	s9 =	sadd.s32 $0xFFFFFEF7, lr;
	s5 =	simm.s32 $0xFFFFFFFF;
	p2 =	slt.u32 s8, $0xFFFFF086  }
0x1c: {  	p1 =	slt.u32 s9, $0xF7A;
	s5 =	simm.s32 @!p2 $0x0  }
0x1d: {  	s5 =	simm.s32 @p1 $0x1;
	p0 =	seq.s32 s7, s2  }
0x1e: {  	s7 =	smul.u32 @!p0 $0xF7A, s2;
	p2 =	seq.s32 @!p0 s5, $0x0  }
0x1f: {  	s9 =	smul.u32 $0xF7A, s1;
	s8 =	simm.s32 @!p0 $0x1BF5;
	p2 =	por !p2, p0  }
0x20: {  	[sflag:s8] =	ssyncset.s32 @!p0 $0xFFFFF086;
	s6 =	sadd.s32 @!p0 s3, s7;
	s7 =	simm.s32 @!p0 $0x108  }
0x21: {  	s3 =	sadd.s32 s3, s9;
	s6 =	sadd.s32 @!p0 $0x88, s6;
	s7 =	simm.s32 @p2 $0x1082  }
0x22: {  	[simem:s7], [sflag:s8] =	dma.local @!p0 [hbm:s6], $0xF7A  }
0x23: {  	s9 =	sor.u32 $0xD0000000, s2;
	s6 =	simm.s32 $0x108;
	_ =	swait.ge @!p0 [sflag:s8], $0x0  }
0x24: {  	s3 =	sadd.s32 $0x88, s3;
	s6 =	simm.s32 @!p1 $0x1082;
	[sflag:s4] =	ssyncset.s32 $0xFFFFF086  }
0x25: {  	[simem:s6], [sflag:s4] =	dma.local [hbm:s3], $0xF7A  }
0x26: {  	[smem:$0x3F98] =	sst s1;
	(tag) =	ssettag s2;
	_ =	strace s9  }
0x27: {  	s1 =	sld [smem:$0x3FA8]  }
0x28: {  	s2 =	sld [smem:$0x3FA9]  }
0x29: {  	s4 =	sld [smem:$0x3FAB]  }
0x2a: {  	p0 =	seq.s32 s5, $0x0;
	s5 =	sld [smem:$0x3FAC]  }
0x2b: {  	s6 =	sld [smem:$0x3FAD]  }
0x2c: {  	s7 =	sld [smem:$0x3FAE]  }
0x2d: {  	s3 =	simm.s32 $0x108;
	s8 =	sld [smem:$0x3FAF]  }
0x2e: {  	s3 =	simm.s32 @!p0 $0x1082;
	s9 =	sld [smem:$0x3FB0]  }
0x2f: {  	lr =	sadd.s32 s0, s3;
	s0 =	sld [smem:$0x3FA7]  }
0x30: {  	s3 =	sld [smem:$0x3FAA]  }
0x31: {  	[smem:$0x3FB3] =	sst s10  }
0x32: {  	s10 =	sld [smem:$0x3FB1];
	_ =	sdelay $0x3  }
0x33: {  	p0 =	seq.s32 s10, $0x1;
	s10 =	sld [smem:$0x3FB3];
	_ =	sdelay $0x3  }
0x34: {  	[smem:$0x3FB3] =	sst s10  }
0x35: {  	s10 =	sld [smem:$0x3FB2];
	_ =	sdelay $0x3  }
0x36: {  	p1 =	seq.s32 s10, $0x1;
	s10 =	sld [smem:$0x3FB3];
	_ =	sdelay $0x3  }
0x37: {  	[smem:$0x3FB3] =	sst s10  }
0x38: {  	s10 =	sld [smem:$0x3FB4]  }
0x39: {  	_ = 	snop;
	(pc) =	sbr.ind lr, $3  }
0x3a: {  	_ = 	snop  }
0x3b: {  	_ = 	snop  }
0x3c: {  	p2 =	seq.s32 s10, $0x1;
	s10 =	sld [smem:$0x3FB3]  }
0x3d: {  	_ =	shalt  }
0x3e: {  	_ =	shalt  }
0x3f: {  	_ =	shalt  }
0x40: {  	_ =	shalt  }
0x41: {  	_ =	shalt  }
0x42: {  	_ =	shalt  }
0x43: {  	_ =	shalt  }
0x44: {  	_ =	shalt  }
0x45: {  	_ =	shalt  }
0x46: {  	_ =	shalt  }
0x47: {  	_ =	shalt  }
0x48: {  	_ =	shalt  }
0x49: {  	_ =	shalt  }
0x4a: {  	_ =	shalt  }
0x4b: {  	_ =	shalt  }
0x4c: {  	_ =	shalt  }
0x4d: {  	_ =	shalt  }
0x4e: {  	_ =	shalt  }
0x4f: {  	_ =	shalt  }
0x50: {  	_ =	shalt  }
0x51: {  	_ =	shalt  }
0x52: {  	_ =	shalt  }
0x53: {  	_ =	shalt  }
0x54: {  	_ =	shalt  }
0x55: {  	_ =	shalt  }
0x56: {  	_ =	shalt  }
0x57: {  	_ =	shalt  }
0x58: {  	_ =	shalt  }
0x59: {  	_ =	shalt  }
0x5a: {  	_ =	shalt  }
0x5b: {  	_ =	shalt  }
0x5c: {  	_ =	shalt  }
0x5d: {  	_ =	shalt  }
0x5e: {  	_ =	shalt  }
0x5f: {  	_ =	shalt  }
0x60: {  	_ =	shalt  }
0x61: {  	_ =	shalt  }
0x62: {  	_ =	shalt  }
0x63: {  	_ =	shalt  }
0x64: {  	_ =	shalt  }
0x65: {  	_ =	shalt  }
0x66: {  	_ =	shalt  }
0x67: {  	_ =	shalt  }
0x68: {  	_ =	shalt  }
0x69: {  	_ =	shalt  }
0x6a: {  	_ =	shalt  }
0x6b: {  	_ =	shalt  }
0x6c: {  	_ =	shalt  }
0x6d: {  	_ =	shalt  }
0x6e: {  	_ =	shalt  }
0x6f: {  	_ =	shalt  }
0x70: {  	_ =	shalt  }
0x71: {  	_ =	shalt  }
0x72: {  	_ =	shalt  }
0x73: {  	_ =	shalt  }
0x74: {  	_ =	shalt  }
0x75: {  	_ =	shalt  }
0x76: {  	_ =	shalt  }
0x77: {  	_ =	shalt  }
0x78: {  	_ =	shalt  }
0x79: {  	_ =	shalt  }
0x7a: {  	_ =	shalt  }
0x7b: {  	_ =	shalt  }
0x7c: {  	_ =	shalt  }
0x7d: {  	_ =	shalt  }
0x7e: {  	_ =	shalt  }
0x7f: {  	_ =	shalt  }
0x80: {  	_ =	shalt  }
0x81: {  	_ =	shalt  }
0x82: {  	_ =	shalt  }
0x83: {  	_ =	shalt  }
0x84: {  	_ =	shalt  }
0x85: {  	_ =	shalt  }
0x86: {  	_ =	shalt  }
0x87: {  	_ =	shalt  }
.Lfunc_end0:
.L_simem_size_0:
called_computation_lowered:
.L_overlay_start_0:
0x88: {  	s2 =	sld [smem:$0x3FD9]  }
0x89: {  	s3 =	sld [smem:$0x3FFE];
	_ =	sdelay $0x1  }
0x8a: {  	s1 =	srdreg.scid  }
0x8b: {  	s0 =	sand.u32 $0x1, s1  }
0x8c: {  	s14 =	sshll.u32 s0, $0xA;
	s2 =	sadd.s32 s3, s2  }
0x8d: {  	s2 =	sadd.s32 s2, s14  }
0x8e: {  	[smem:$0x3FBF] =	sst s2  }
0x8f: {  	_ = 	snop  }
0x90: {  	s2 =	sld [smem:$0x3FD0];
	_ =	sdelay $0x1  }
0x91: {  	s15 =	sld [smem:$0x3FC6]  }
0x92: {  	s5 =	simm.s32 $0xA;
	s6 =	simm.s32 $0x10;
	s4 =	sld [smem:$0x3FC4]  }
0x93: {  	[smem:s6], [sflag:s5] =	dma.local [hbm:s2], $0x1  }
0x94: {  	_ =	swait.eq [sflag:s5], $0x1  }
0x95: {  	[sflag:s5] =	ssyncset.done $0x0  }
0x96: {  	s16 =	sld [smem:$0x10];
	[sflag:s5] =	ssyncadd.s32 $0xFFFFFFFF  }
0x97: {  	s17 =	sld [smem:$0x11];
	(tm) =	ssettm $0x1  }
0x98: {  	s18 =	sld [smem:$0x3FFB];
	_ =	sdelay $0x3  }
0x99: {  	_ =	strace s18  }
0x9a: {  	s6 =	sld [smem:$0x3FFC];
	_ =	sdelay $0x3  }
0x9b: {  	_ =	strace s6  }
0x9c: {  	s6 =	sld [smem:$0x3FFD];
	_ =	sdelay $0x3  }
0x9d: {  	_ =	strace s6  }
0x9e: {  	_ =	strace $0x8FFFFFFF  }
0x9f: {  	s19 =	sld [smem:$0x3FDB];
	_ =	sdelay $0x1  }
0xa0: {  	s7 =	simm.s32 $_scs_section_size  }
0xa1: {  	s8 =	simm.s32 $_size__tile_overlayer_lowered;
	s9 =	simm.s32 $_tile_overlayer_lowered  }
0xa2: {  	s22 =	simm.s32 $0x1BFF;
	s21 =	sshll.u32 s9, $0x1;
	s6 =	sadd.s32 s7, s19  }
0xa3: {  	s10 =	simm.s32 $0x0;
	s20 =	sshll.u32 s8, $0x1;
	s8 =	sadd.s32 s21, s6  }
0xa4: {  	[timem:s10], [sflag:s22] =	dma.local [hbm:s8], s20  }
0xa5: {  	_ =	swait.ge [sflag:s22], s20  }
0xa6: {  	s7 =	ssub.s32 $0x0, s20;
	[sflag:s22] =	ssyncset.done $0x0  }
0xa7: {  	[sflag:s22] =	ssyncadd.s32 s7;
	_ =	sdelay $0x1  }
0xa8: {  	s23 =	simm.s32 $0x1B8B  }
0xa9: {  	_ =	swait.ge [sflag:s23], $0x1  }
0xaa: {  	[sflag:s23] =	ssyncset.done $0x0  }
0xab: {  	s25 =	simm.s32 $0x1B8E;
	s24 =	sld [smem:$0x3FFE];
	[sflag:s23] =	ssyncadd.s32 $0xFFFFFFFF  }
0xac: {  	s26 =	simm.s32 $execute0_lowered;
	[smem:$0x3FD2] =	sst s25  }
0xad: {  	s8 =	sshll.u32 s26, $0x1;
	_ =	strace $0x80000046;
	[dreg:$0x1] =	wrdreg $0xFFFFFFFF  }
0xae: {  	s28 =	simm.s32 $_size_execute0_lowered;
	s6 =	sadd.s32 s6, s8;
	[dreg:$0x0] =	wrdreg $0x0  }
0xaf: {  	s8 =	sshll.u32 s28, $0x1;
	[dreg:$0x2] =	wrdreg s6  }
0xb0: {  	[dreg:$0x3] =	wrdreg s8  }
0xb1: {  	[dreg:$0x4] =	wrdreg $0xC0  }
0xb2: {  	_ =	task [dreg:s10], $0x5FFFF  }
0xb3: {  	[dreg:$0x1] =	wrdreg $0xFFFFFFFF  }
0xb4: {  	[dreg:$0x0] =	wrdreg $0x60  }
0xb5: {  	[dreg:$0x2] =	wrdreg s15  }
0xb6: {  	[dreg:$0x3] =	wrdreg s4  }
0xb7: {  	[dreg:$0x4] =	wrdreg s17  }
0xb8: {  	[dreg:$0x5] =	wrdreg s24  }
0xb9: {  	[dreg:$0x6] =	wrdreg s16  }
0xba: {  	[dreg:$0x7] =	wrdreg $0x9  }
0xbb: {  	_ =	task.clear_ibuf [dreg:s10], $0x8FFFF;
	_ =	strace $0x90000046  }
0xbc: {  	s29 =	simm.s32 $0x9;
	_ =	strace $0x80000048  }
0xbd: {  	_ =	swait.ge [sflag:s29], $0x1  }
0xbe: {  	[sflag:s29] =	ssyncadd.s32 $0xFFFFFFFF  }
0xbf: {  	_ =	strace $0x90000048  }
0xc0: {  	_ =	sfence  }
0xc1: {  	s30 =	sld [smem:$0x0];
	_ =	sdelay $0x2  }
0xc2: {  	s31 =	sshll.u32 s1, $0xD;
	s1 =	sshrl.u32 s1, $0x2  }
0xc3: {  	s3 =	sand.u32 $0x4000, s31;
	s1 =	sadd.s32 s1, s30  }
0xc4: {  	s0 =	sor.u32 s3, s0;
	s1 =	sshll.u32 s1, $0x11  }
0xc5: {  	s0 =	sor.u32 s1, s0  }
0xc6: {  	s0 =	sadd.s32 $0x8F2B, s0  }
0xc7: {  	[sflag:s0] =	ssyncadd.remote.s32 $0x1  }
0xc8: {  	_ =	sfence.sel $0xFFFF  }
0xc9: {  	[dreg:$0x0] =	wrdreg $0xFFFFFFFF;
	(pc) =	sbr.abs _section_cstart, $3  }
0xca: {  	[dreg:$0x1] =	wrdreg $0xFFFFFFFF  }
0xcb: {  	_ =	task.clear_ibuf [dreg:s10], $0x2FFFF;
	_ =	strace $0x9FFFFFFF  }
0xcc: {  	(tm) =	ssettm $0x7FFFFFFF  }
0xcd: {  	_ =	shalt  }
tec
execute0_lowered:
.L_overlay_start_1:
0x0: {  	(tag) =	ssettag $0x1  }
0x1: {  	s1 =	rddreg [dreg:$0x0]  }
0x2: {  	s2 =	rddreg [dreg:$0x1]  }
0x3: {  	s5 =	rddreg [dreg:$0x2];
	s3 =	srdreg.scid  }
0x4: {  	s21 =	rddreg [dreg:$0x3];
	s0 =	stileid.u32;
	s26 =	sand.u32 $0x1, s3  }
0x5: {  	s19 =	rddreg [dreg:$0x4];
	s6 =	sshll.u32 s0, $0xA;
	s7 =	sshll.u32 s26, $0x9  }
0x6: {  	s4 =	simm.s32 $0x0;
	s3 =	rddreg [dreg:$0x5];
	s13 =	sor.u32 s7, s6  }
0x7: {  	[smem:$0x7FF] =	sst s4;
	s7 =	sshrl.u32 s13, $0x3  }
0x8: {  	_ =	strace $0x80000047;
	s6 =	sadd.s32 s5, s7;
	s5 =	simm.s32 $0x3  }
0x9: {  	[tilespmem:s4], [sflag:$0x3] =	stream.linear.gather [hbm4b:s6+s4], $0x200, $0x38;
	[tilespmem:$0x8400] =	vst v63  }
0xa: {  	_ =	swait.ge [sflag:s5], $0x200  }
0xb: {  	s7 =	sadd.s32 s7, s21;
	[sflag:s5] =	ssyncset.done $0x0  }
0xc: {  	s8 =	simm.s32 $0x200;
	s7 =	sadd.s32 $0x1C00, s7;
	[sflag:s5] =	ssyncadd.s32 $0xFFFFFE00  }
0xd: {  	[tilespmem:s8], [sflag:$0x3] =	stream.linear.gather [hbm4b:s7+s4], $0x200, $0x38;
	[tilespmem:$0x8400] =	vst v63  }
0xe: {  	_ =	swait.ge [sflag:s5], $0x200  }
0xf: {  	[sflag:s5] =	ssyncset.done $0x0  }
0x10: {  	s9 =	simm.s32 $0x80;
	s10 =	simm.s32 $0x400;
	[sflag:s5] =	ssyncadd.s32 $0xFFFFFE00  }
0x11: {  	[tilespmem:s10], [sflag:$0x1] =	stream.indirect.gather [hbm4b:s1+s9], $0x80, s4, s9, $0xb8;
	[tilespmem:$0x8400] =	vst v63  }
0x12: {  	s11 =	simm.s32 $0x4400;
	s12 =	simm.s32 $0x1  }
0x13: {  	[tilespmem:s11], [sflag:$0x2] =	stream.indirect.gather [hbm4b:s1+s9], $0x80, s9, s9, $0xb8;
	[tilespmem:$0x8400] =	vst v63  }
0x14: {  	_ =	swait.ge [sflag:s12], $0x4000  }
0x15: {  	s22 =	sshll.u32 s13, $0x4;
	[sflag:s12] =	ssyncset.done $0x0  }
0x16: {  	s13 =	sadd.s32 s19, s22;
	[sflag:s12] =	ssyncadd.s32 $0xFFFFC000  }
0x17: {  	[hbm4b:s13+s4] =	stream.linear.scatter [tilespmem:s10], [sflag:$0x3], $0x4000, $0x38;
	[tilespmem:$0x8400] =	vst v63  }
0x18: {  	_ =	swait.ge [sflag:s5], $0x4000  }
0x19: {  	[sflag:s5] =	ssyncset.done $0x0  }
0x1a: {  	s14 =	simm.s32 $0x100;
	s15 =	simm.s32 $0x2;
	[sflag:s5] =	ssyncadd.s32 $0xFFFFC000  }
0x1b: {  	[tilespmem:s10], [sflag:$0x1] =	stream.indirect.gather [hbm4b:s1+s9], $0x80, s14, s9, $0xb8;
	[tilespmem:$0x8400] =	vst v63  }
0x1c: {  	_ =	swait.ge [sflag:s15], $0x4000  }
0x1d: {  	s23 =	sor.u32 $0x800, s22;
	[sflag:s15] =	ssyncset.done $0x0  }
0x1e: {  	s16 =	sadd.s32 s19, s23;
	[sflag:s15] =	ssyncadd.s32 $0xFFFFC000  }
0x1f: {  	[hbm4b:s16+s4] =	stream.linear.scatter [tilespmem:s11], [sflag:$0x3], $0x4000, $0x38;
	[tilespmem:$0x8400] =	vst v63  }
0x20: {  	_ =	swait.ge [sflag:s5], $0x4000  }
0x21: {  	[sflag:s5] =	ssyncset.done $0x0  }
0x22: {  	s17 =	simm.s32 $0x180;
	[sflag:s5] =	ssyncadd.s32 $0xFFFFC000  }
0x23: {  	[tilespmem:s11], [sflag:$0x2] =	stream.indirect.gather [hbm4b:s1+s9], $0x80, s17, s9, $0xb8;
	[tilespmem:$0x8400] =	vst v63  }
0x24: {  	_ =	swait.ge [sflag:s12], $0x4000  }
0x25: {  	s25 =	sor.u32 $0x1000, s22;
	[sflag:s12] =	ssyncset.done $0x0  }
0x26: {  	s18 =	sadd.s32 s19, s25;
	[sflag:s12] =	ssyncadd.s32 $0xFFFFC000  }
0x27: {  	[hbm4b:s18+s4] =	stream.linear.scatter [tilespmem:s10], [sflag:$0x3], $0x4000, $0x38;
	[tilespmem:$0x8400] =	vst v63  }
0x28: {  	_ =	swait.ge [sflag:s5], $0x4000  }
0x29: {  	[sflag:s5] =	ssyncset.done $0x0  }
0x2a: {  	[sflag:s5] =	ssyncadd.s32 $0xFFFFC000  }
0x2b: {  	[tilespmem:s10], [sflag:$0x1] =	stream.indirect.gather [hbm4b:s2+s9], $0x80, s8, s9, $0xb8;
	[tilespmem:$0x8400] =	vst v63  }
0x2c: {  	_ =	swait.ge [sflag:s15], $0x4000  }
0x2d: {  	s28 =	sor.u32 $0x1800, s22;
	[sflag:s15] =	ssyncset.done $0x0  }
0x2e: {  	s19 =	sadd.s32 s19, s28;
	[sflag:s15] =	ssyncadd.s32 $0xFFFFC000  }
0x2f: {  	[hbm4b:s19+s4] =	stream.linear.scatter [tilespmem:s11], [sflag:$0x3], $0x4000, $0x38;
	[tilespmem:$0x8400] =	vst v63  }
0x30: {  	_ =	swait.ge [sflag:s5], $0x4000  }
0x31: {  	[sflag:s5] =	ssyncset.done $0x0  }
0x32: {  	s20 =	simm.s32 $0x280;
	[sflag:s5] =	ssyncadd.s32 $0xFFFFC000  }
0x33: {  	[tilespmem:s11], [sflag:$0x2] =	stream.indirect.gather [hbm4b:s2+s9], $0x80, s20, s9, $0xb8;
	[tilespmem:$0x8400] =	vst v63  }
0x34: {  	_ =	swait.ge [sflag:s12], $0x4000  }
0x35: {  	s29 =	sadd.s32 $0x2400, s21;
	[sflag:s12] =	ssyncset.done $0x0  }
0x36: {  	s21 =	sadd.s32 s29, s22;
	[sflag:s12] =	ssyncadd.s32 $0xFFFFC000  }
0x37: {  	[hbm4b:s21+s4] =	stream.linear.scatter [tilespmem:s10], [sflag:$0x3], $0x4000, $0x38;
	[tilespmem:$0x8400] =	vst v63  }
0x38: {  	_ =	swait.ge [sflag:s5], $0x4000  }
0x39: {  	[sflag:s5] =	ssyncset.done $0x0  }
0x3a: {  	s22 =	simm.s32 $0x300;
	[sflag:s5] =	ssyncadd.s32 $0xFFFFC000  }
0x3b: {  	[tilespmem:s10], [sflag:$0x1] =	stream.indirect.gather [hbm4b:s2+s9], $0x80, s22, s9, $0xb8;
	[tilespmem:$0x8400] =	vst v63  }
0x3c: {  	_ =	swait.ge [sflag:s15], $0x4000  }
0x3d: {  	[sflag:s15] =	ssyncset.done $0x0  }
0x3e: {  	s23 =	sadd.s32 s29, s23;
	[sflag:s15] =	ssyncadd.s32 $0xFFFFC000  }
0x3f: {  	[hbm4b:s23+s4] =	stream.linear.scatter [tilespmem:s11], [sflag:$0x3], $0x4000, $0x38;
	[tilespmem:$0x8400] =	vst v63  }
0x40: {  	_ =	swait.ge [sflag:s5], $0x4000  }
0x41: {  	[sflag:s5] =	ssyncset.done $0x0  }
0x42: {  	s24 =	simm.s32 $0x380;
	[sflag:s5] =	ssyncadd.s32 $0xFFFFC000  }
0x43: {  	[tilespmem:s11], [sflag:$0x2] =	stream.indirect.gather [hbm4b:s2+s9], $0x80, s24, s9, $0xb8;
	[tilespmem:$0x8400] =	vst v63  }
0x44: {  	_ =	swait.ge [sflag:s12], $0x4000  }
0x45: {  	[sflag:s12] =	ssyncset.done $0x0  }
0x46: {  	s26 =	ssub.s32 $0x2, s26;
	s25 =	sadd.s32 s29, s25;
	[sflag:s12] =	ssyncadd.s32 $0xFFFFC000  }
0x47: {  	[hbm4b:s25+s4] =	stream.linear.scatter [tilespmem:s10], [sflag:$0x3], $0x4000, $0x38;
	[tilespmem:$0x8400] =	vst v63  }
0x48: {  	s30 =	sshrl.u32 s26, $0x1;
	_ =	swait.ge [sflag:s5], $0x4000  }
0x49: {  	s30 =	ssub.s32 s26, s30;
	[sflag:s5] =	ssyncset.done $0x0  }
0x4a: {  	s26 =	sadd.s32 s29, s28;
	s28 =	smax.u32 s30, $0x1;
	[sflag:s5] =	ssyncadd.s32 $0xFFFFC000  }
0x4b: {  	p0 =	sne.s32 s28, $0x1;
	_ =	swait.ge [sflag:s15], $0x4000  }
.Ltmp0:
0x4c: {  	[sflag:s15] =	ssyncset.done $0x0;
	(pc) =	sbr.rel @!p0 .LBB2_2-.Ltmp0, $4  }
0x4d: {  	[sflag:s15] =	ssyncadd.s32 $0xFFFFC000  }
0x4e: {  	[hbm4b:s26+s4] =	stream.linear.scatter [tilespmem:s11], [sflag:$0x3], $0x4000, $0x38;
	[tilespmem:$0x8400] =	vst v63  }
0x4f: {  	_ =	swait.ge [sflag:s5], $0x4000  }
0x50: {  	s28 =	sadd.s32 $0xFFFFFFFF, s28;
	[sflag:s5] =	ssyncset.done $0x0  }
.LBB2_1:
0x51: {  	p0 =	sne.s32 s28, $0x1;
	s28 =	sadd.s32 $0xFFFFFFFF, s28;
	[sflag:s5] =	ssyncadd.s32 $0xFFFFC000  }
0x52: {  	[tilespmem:s4], [sflag:$0x3] =	stream.linear.gather [hbm4b:s6+s4], $0x200, $0x38;
	[tilespmem:$0x8400] =	vst v63  }
0x53: {  	_ =	swait.ge [sflag:s5], $0x200  }
0x54: {  	[sflag:s5] =	ssyncset.done $0x0  }
0x55: {  	[sflag:s5] =	ssyncadd.s32 $0xFFFFFE00  }
0x56: {  	[tilespmem:s8], [sflag:$0x3] =	stream.linear.gather [hbm4b:s7+s4], $0x200, $0x38;
	[tilespmem:$0x8400] =	vst v63  }
0x57: {  	_ =	swait.ge [sflag:s5], $0x200  }
0x58: {  	[sflag:s5] =	ssyncset.done $0x0  }
0x59: {  	[sflag:s5] =	ssyncadd.s32 $0xFFFFFE00  }
0x5a: {  	[tilespmem:s10], [sflag:$0x1] =	stream.indirect.gather [hbm4b:s1+s9], $0x80, s4, s9, $0xb8;
	[tilespmem:$0x8400] =	vst v63  }
0x5b: {  	_ = 	snop  }
0x5c: {  	[tilespmem:s11], [sflag:$0x2] =	stream.indirect.gather [hbm4b:s1+s9], $0x80, s9, s9, $0xb8;
	[tilespmem:$0x8400] =	vst v63  }
0x5d: {  	_ =	swait.ge [sflag:s12], $0x4000  }
0x5e: {  	[sflag:s12] =	ssyncset.done $0x0  }
0x5f: {  	[sflag:s12] =	ssyncadd.s32 $0xFFFFC000  }
0x60: {  	[hbm4b:s13+s4] =	stream.linear.scatter [tilespmem:s10], [sflag:$0x3], $0x4000, $0x38;
	[tilespmem:$0x8400] =	vst v63  }
0x61: {  	_ =	swait.ge [sflag:s5], $0x4000  }
0x62: {  	[sflag:s5] =	ssyncset.done $0x0  }
0x63: {  	[sflag:s5] =	ssyncadd.s32 $0xFFFFC000  }
0x64: {  	[tilespmem:s10], [sflag:$0x1] =	stream.indirect.gather [hbm4b:s1+s9], $0x80, s14, s9, $0xb8;
	[tilespmem:$0x8400] =	vst v63  }
0x65: {  	_ =	swait.ge [sflag:s15], $0x4000  }
0x66: {  	[sflag:s15] =	ssyncset.done $0x0  }
0x67: {  	[sflag:s15] =	ssyncadd.s32 $0xFFFFC000  }
0x68: {  	[hbm4b:s16+s4] =	stream.linear.scatter [tilespmem:s11], [sflag:$0x3], $0x4000, $0x38;
	[tilespmem:$0x8400] =	vst v63  }
0x69: {  	_ =	swait.ge [sflag:s5], $0x4000  }
0x6a: {  	[sflag:s5] =	ssyncset.done $0x0  }
0x6b: {  	[sflag:s5] =	ssyncadd.s32 $0xFFFFC000  }
0x6c: {  	[tilespmem:s11], [sflag:$0x2] =	stream.indirect.gather [hbm4b:s1+s9], $0x80, s17, s9, $0xb8;
	[tilespmem:$0x8400] =	vst v63  }
0x6d: {  	_ =	swait.ge [sflag:s12], $0x4000  }
0x6e: {  	[sflag:s12] =	ssyncset.done $0x0  }
0x6f: {  	[sflag:s12] =	ssyncadd.s32 $0xFFFFC000  }
0x70: {  	[hbm4b:s18+s4] =	stream.linear.scatter [tilespmem:s10], [sflag:$0x3], $0x4000, $0x38;
	[tilespmem:$0x8400] =	vst v63  }
0x71: {  	_ =	swait.ge [sflag:s5], $0x4000  }
0x72: {  	[sflag:s5] =	ssyncset.done $0x0  }
0x73: {  	[sflag:s5] =	ssyncadd.s32 $0xFFFFC000  }
0x74: {  	[tilespmem:s10], [sflag:$0x1] =	stream.indirect.gather [hbm4b:s2+s9], $0x80, s8, s9, $0xb8;
	[tilespmem:$0x8400] =	vst v63  }
0x75: {  	_ =	swait.ge [sflag:s15], $0x4000  }
0x76: {  	[sflag:s15] =	ssyncset.done $0x0  }
0x77: {  	[sflag:s15] =	ssyncadd.s32 $0xFFFFC000  }
0x78: {  	[hbm4b:s19+s4] =	stream.linear.scatter [tilespmem:s11], [sflag:$0x3], $0x4000, $0x38;
	[tilespmem:$0x8400] =	vst v63  }
0x79: {  	_ =	swait.ge [sflag:s5], $0x4000  }
0x7a: {  	[sflag:s5] =	ssyncset.done $0x0  }
0x7b: {  	[sflag:s5] =	ssyncadd.s32 $0xFFFFC000  }
0x7c: {  	[tilespmem:s11], [sflag:$0x2] =	stream.indirect.gather [hbm4b:s2+s9], $0x80, s20, s9, $0xb8;
	[tilespmem:$0x8400] =	vst v63  }
0x7d: {  	_ =	swait.ge [sflag:s12], $0x4000  }
0x7e: {  	[sflag:s12] =	ssyncset.done $0x0  }
0x7f: {  	[sflag:s12] =	ssyncadd.s32 $0xFFFFC000  }
0x80: {  	[hbm4b:s21+s4] =	stream.linear.scatter [tilespmem:s10], [sflag:$0x3], $0x4000, $0x38;
	[tilespmem:$0x8400] =	vst v63  }
0x81: {  	_ =	swait.ge [sflag:s5], $0x4000  }
0x82: {  	[sflag:s5] =	ssyncset.done $0x0  }
0x83: {  	[sflag:s5] =	ssyncadd.s32 $0xFFFFC000  }
0x84: {  	[tilespmem:s10], [sflag:$0x1] =	stream.indirect.gather [hbm4b:s2+s9], $0x80, s22, s9, $0xb8;
	[tilespmem:$0x8400] =	vst v63  }
0x85: {  	_ =	swait.ge [sflag:s15], $0x4000  }
0x86: {  	[sflag:s15] =	ssyncset.done $0x0  }
0x87: {  	[sflag:s15] =	ssyncadd.s32 $0xFFFFC000  }
0x88: {  	[hbm4b:s23+s4] =	stream.linear.scatter [tilespmem:s11], [sflag:$0x3], $0x4000, $0x38;
	[tilespmem:$0x8400] =	vst v63  }
0x89: {  	_ =	swait.ge [sflag:s5], $0x4000  }
0x8a: {  	[sflag:s5] =	ssyncset.done $0x0  }
0x8b: {  	[sflag:s5] =	ssyncadd.s32 $0xFFFFC000  }
0x8c: {  	[tilespmem:s11], [sflag:$0x2] =	stream.indirect.gather [hbm4b:s2+s9], $0x80, s24, s9, $0xb8;
	[tilespmem:$0x8400] =	vst v63  }
0x8d: {  	_ =	swait.ge [sflag:s12], $0x4000  }
0x8e: {  	[sflag:s12] =	ssyncset.done $0x0  }
0x8f: {  	[sflag:s12] =	ssyncadd.s32 $0xFFFFC000  }
0x90: {  	[hbm4b:s25+s4] =	stream.linear.scatter [tilespmem:s10], [sflag:$0x3], $0x4000, $0x38;
	[tilespmem:$0x8400] =	vst v63  }
0x91: {  	_ =	swait.ge [sflag:s5], $0x4000  }
0x92: {  	[sflag:s5] =	ssyncset.done $0x0  }
0x93: {  	[sflag:s5] =	ssyncadd.s32 $0xFFFFC000  }
0x94: {  	_ =	swait.ge [sflag:s15], $0x4000  }
.Ltmp1:
0x95: {  	[sflag:s15] =	ssyncset.done $0x0;
	(pc) =	sbr.rel @p0 .LBB2_1-.Ltmp1, $4  }
0x96: {  	[sflag:s15] =	ssyncadd.s32 $0xFFFFC000  }
0x97: {  	[hbm4b:s26+s4] =	stream.linear.scatter [tilespmem:s11], [sflag:$0x3], $0x4000, $0x38;
	[tilespmem:$0x8400] =	vst v63  }
0x98: {  	_ =	swait.ge [sflag:s5], $0x4000  }
0x99: {  	[sflag:s5] =	ssyncset.done $0x0  }
.LBB2_2:
0x9a: {  	[sflag:s5] =	ssyncadd.s32 $0xFFFFC000  }
0x9b: {  	_ =	sfence.sel $0x180000  }
0x9c: {  	[bflag:$0x0] =	sbarrier.arrive $0xFFFF  }
0x9d: {  	p0 =	sne.s32 s0, $0x0;
	_ =	strace $0x90000047  }
0x9e: {  	s0 =	sadd.s32 @!p0 $0x100000, s3;
	[bflag:$0x2] =	sbarrier.arrive $0xFFFF  }
0x9f: {  	[sflag:s0] =	ssyncadd.tile.s32 @!p0 $0x1;
	_ =	shalt  }
.Lfunc_end2:
_tile_overlayer_lowered:
.L_overlay_start_2:
0xa0: {  	(tag) =	ssettag $0x2  }
0xa1: {  	s0 =	rddreg [dreg:$0x0];
	s2 =	stileid.u32  }
0xa2: {  	s1 =	rddreg [dreg:$0x1];
	p0 =	sne.s32 s2, $0x0  }
0xa3: {  	s3 =	rddreg [dreg:$0x2];
	[bflag:$0x3] =	sbarrier.arrive $0xFFFF;
	s2 =	simm.s32 @!p0 $0x1C03  }
0xa4: {  	[timem:s3], [sflag:s2] =	dma.local @!p0 [hbm:s0], s1  }
0xa5: {  	s0 =	simm.s32 @!p0 $0x3  }
0xa6: {  	_ =	swait.ge @!p0 [sflag:s0], s1  }
0xa7: {  	s1 =	ssub.s32 @!p0 $0x0, s1;
	[sflag:s0] =	ssyncset.done @!p0 $0x0  }
0xa8: {  	[sflag:s0] =	ssyncadd.s32 @!p0 s1  }
0xa9: {  	[bflag:$0x3] =	sbarrier.arrive $0xFFFF  }
0xaa: {  	_ =	shalt  }

</sc_bundles>
